<compile_context>
chip_gen: v7x
topology: tpu7x:2x2x1
jax: 0.10.2.dev20260603
libtpu: 0.0.44.dev20260713+nightly
codegen_flags: <defaults>
</compile_context>

<pallas_src>
import functools

import jax
import jax.numpy as jnp
from jax import lax
from jax.experimental import pallas as pl
from jax.experimental.pallas import tpu as pltpu
from jax.experimental.pallas import tpu_sc as plsc

_N = 10000
_E = 320000
_D = 128

_F32 = jnp.float32


_NB = 1000
_EB = 2000


def _dot(a, b):
    return jnp.dot(a, b, preferred_element_type=_F32)


def _node_mlp_body(x_ref, w1, b1, w2, b2, w3, b3, o_ref):
    h = jnp.maximum(_dot(x_ref[...], w1[...]) + b1[...], 0.0)
    h = jnp.maximum(_dot(h, w2[...]) + b2[...], 0.0)
    o_ref[...] = _dot(h, w3[...]) + b3[...]


def _full(shape):
    return pl.BlockSpec(shape, lambda i: (0,) * len(shape))


def _node_mlp(x, p):
    w1, w2, w3 = p['W1'], p['W2'], p['W3']
    b1, b2, b3 = (p[k].reshape(1, -1) for k in ('b1', 'b2', 'b3'))
    return pl.pallas_call(
        _node_mlp_body,
        grid=(_N // _NB,),
        in_specs=[
            pl.BlockSpec((_NB, _D), lambda i: (i, 0)),
            _full(w1.shape), _full(b1.shape),
            _full(w2.shape), _full(b2.shape),
            _full(w3.shape), _full(b3.shape),
        ],
        out_specs=pl.BlockSpec((_NB, _D), lambda i: (i, 0)),
        out_shape=jax.ShapeDtypeStruct((_N, _D), _F32),
    )(x, w1, b1, w2, b2, w3, b3)


_BF16 = jnp.bfloat16


def _edge_mlp_body(hsd_ref, le_ref,
                   w1e, b1e, w2e, b2e,
                   wab, w3c, b3c,
                   w21, b21, w20, b20, w31, b31, w30, b30,
                   m1_ref, m0_ref):
    le = le_ref[...]
    h1 = jnp.maximum(le * w1e[...] + b1e[...], 0.0)
    he2 = jnp.maximum(_dot(h1.astype(_BF16), w2e[...]) + b2e[...], 0.0)
    pre = (_dot(hsd_ref[...].astype(_BF16), wab[...])
           + _dot(he2.astype(_BF16), w3c[...]) + b3c[...])
    t = jnp.maximum(pre, 0.0).astype(_BF16)
    u1 = jnp.maximum(_dot(t[:, :256], w21[...]) + b21[...], 0.0)
    u0 = jnp.maximum(_dot(t[:, 256:], w20[...]) + b20[...], 0.0)
    m1_ref[...] = _dot(u1.astype(_BF16), w31[...]) + b31[...]
    m0_ref[...] = _dot(u0.astype(_BF16), w30[...]) + b30[...]


def _edge_mlp(hsd, l_e, p_e, p_e1, p_e0):
    w1cat = jnp.concatenate([p_e1['W1'], p_e0['W1']], axis=1)
    wa, wb, wc = w1cat[:_D], w1cat[_D:2 * _D], w1cat[2 * _D:]
    b1cat = jnp.concatenate([p_e1['b1'], p_e0['b1']])
    w3c = p_e['W3'] @ wc
    b3c = (p_e['b3'] @ wc + b1cat).reshape(1, -1)
    w1e, b1e = p_e['W1'], p_e['b1'].reshape(1, -1)
    w2e, b2e = p_e['W2'].astype(_BF16), p_e['b2'].reshape(1, -1)
    w21, b21 = p_e1['W2'].astype(_BF16), p_e1['b2'].reshape(1, -1)
    w20, b20 = p_e0['W2'].astype(_BF16), p_e0['b2'].reshape(1, -1)
    w31, b31 = p_e1['W3'].astype(_BF16), p_e1['b3'].reshape(1, -1)
    w30, b30 = p_e0['W3'].astype(_BF16), p_e0['b3'].reshape(1, -1)
    wab = jnp.concatenate([wa, wb], axis=0).astype(_BF16)
    w3c = w3c.astype(_BF16)
    args = (hsd, l_e, w1e, b1e, w2e, b2e, wab, w3c, b3c,
            w21, b21, w20, b20, w31, b31, w30, b30)
    return pl.pallas_call(
        _edge_mlp_body,
        grid=(_E // _EB,),
        in_specs=[
            pl.BlockSpec((_EB, 2 * _D), lambda i: (i, 0)),
            pl.BlockSpec((_EB, 1), lambda i: (i, 0)),
        ] + [_full(a.shape) for a in args[2:]],
        out_specs=[pl.BlockSpec((_EB, _D), lambda i: (i, 0))] * 2,
        out_shape=[jax.ShapeDtypeStruct((_E, _D), _F32)] * 2,
    )(*args)


def _final_body(hv_ref, s1_ref, s0_ref, deg0_ref, deg1_ref,
                wa, wb, wc, b1, w2, b2, w3, b3, o_ref):
    deg = deg0_ref[...][:, 0:1] + deg1_ref[...][:, 0:1]
    r = 1.0 / jnp.maximum(deg, 1.0)
    hv = hv_ref[...]
    t = jnp.maximum(_dot(hv, wa[...]) + _dot(s1_ref[...] * r, wb[...])
                    + _dot(s0_ref[...] * r, wc[...]) + b1[...], 0.0)
    u = jnp.maximum(_dot(t, w2[...]) + b2[...], 0.0)
    o_ref[...] = _dot(u, w3[...]) + b3[...] + hv


def _finalize(hv, s1, s0, deg0, deg1, p):
    wa, wb, wc = p['W1'][:_D], p['W1'][_D:2 * _D], p['W1'][2 * _D:]
    b1, b2, b3 = (p[k].reshape(1, -1) for k in ('b1', 'b2', 'b3'))
    w2, w3 = p['W2'], p['W3']
    args = (hv, s1, s0, deg0, deg1, wa, wb, wc, b1, w2, b2, w3, b3)
    return pl.pallas_call(
        _final_body,
        grid=(_N // _NB,),
        in_specs=[
            pl.BlockSpec((_NB, _D), lambda i: (i, 0)),
            pl.BlockSpec((_NB, _D), lambda i: (i, 0)),
            pl.BlockSpec((_NB, _D), lambda i: (i, 0)),
            pl.BlockSpec((_NB, _D), lambda i: (i, 0)),
            pl.BlockSpec((_NB, _D), lambda i: (i, 0)),
        ] + [_full(a.shape) for a in args[5:]],
        out_specs=pl.BlockSpec((_NB, _D), lambda i: (i, 0)),
        out_shape=jax.ShapeDtypeStruct((_N, _D), _F32),
    )(*args)



_NC, _NS = 2, 16
_NW = _NC * _NS
_GCH = 80
_IDXROWS = _E // _GCH
_EPW = _E // _NW
_GROWS = _EPW // _GCH
_EPT = _E // _NS
_SROWS = _EPT // _GCH
_NSEG = _N // 10

@functools.cache
def _sc_mesh():
    return plsc.VectorSubcoreMesh(core_axis_name="c", subcore_axis_name="s",
                                  num_cores=_NC, num_subcores=_NS)


def _gather_body(hv, src3, dst3, z128, ones128, out_sd, deg0, deg1,
                 idx_v, rows_a, rows_b, ones_v, degacc,
                 gs_a, gs_b, ws_a, ws_b, dsem):
    cid = lax.axis_index("c")
    sid = lax.axis_index("s")
    wid = sid * _NC + cid
    ebase = wid * _EPW

    @pl.when(sid < 10)
    def _():
        sl = pl.ds(sid * _NSEG, _NSEG)
        pltpu.sync_copy(z128.at[sl], degacc.at[sl])

    pltpu.sync_copy(ones128, ones_v)
    plsc.subcore_barrier()

    def run(idx3, col0):
        pltpu.sync_copy(idx3.at[wid], idx_v)

        def gsrc(j):
            return hv.at[idx_v.at[j]]

        def wdst(j):
            return out_sd.at[pl.ds(ebase + j * _GCH, _GCH), pl.ds(col0, _D)]

        def start_g(j, buf, sem):
            pltpu.async_copy(gsrc(j), buf, sem)

        def wait_g(j, buf, sem):
            pltpu.make_async_copy(gsrc(j), buf, sem).wait()

        def start_w(j, buf, sem):
            pltpu.async_copy(buf, wdst(j), sem)

        def wait_w(j, buf, sem):
            pltpu.make_async_copy(buf, wdst(j), sem).wait()

        start_g(0, rows_a, gs_a)

        def go(i, carry):
            c0 = 2 * i
            wait_g(c0, rows_a, gs_a)
            start_w(c0, rows_a, ws_a)
            start_g(c0 + 1, rows_b, gs_b)
            wait_w(c0, rows_a, ws_a)
            wait_g(c0 + 1, rows_b, gs_b)
            start_g(c0 + 2, rows_a, gs_a)
            start_w(c0 + 1, rows_b, ws_b)
            wait_w(c0 + 1, rows_b, ws_b)
            return carry

        lax.fori_loop(0, (_GROWS - 1) // 2, go, 0)
        last = _GROWS - 1
        wait_g(last, rows_a, gs_a)
        start_w(last, rows_a, ws_a)
        wait_w(last, rows_a, ws_a)

    run(src3, 0)
    run(dst3, _D)

    def go_deg(i, carry):
        for b in range(5):
            pltpu.async_copy(ones_v, degacc.at[idx_v.at[5 * i + b]], dsem,
                             add=True)
        for b in range(5):
            pltpu.make_async_copy(ones_v, degacc.at[idx_v.at[5 * i + b]],
                                  dsem).wait()
        return carry

    lax.fori_loop(0, _GROWS // 5, go_deg, 0)
    plsc.subcore_barrier()

    @pl.when((sid < 10) & (cid == 0))
    def _():
        sl = pl.ds(sid * _NSEG, _NSEG)
        pltpu.sync_copy(degacc.at[sl], deg0.at[sl])

    @pl.when((sid < 10) & (cid == 1))
    def _():
        sl = pl.ds(sid * _NSEG, _NSEG)
        pltpu.sync_copy(degacc.at[sl], deg1.at[sl])


@functools.cache
def _gather_kernel():
    return pl.kernel(
        _gather_body,
        out_type=[
            jax.ShapeDtypeStruct((_E, 2 * _D), _F32),
            jax.ShapeDtypeStruct((_N, _D), _F32),
            jax.ShapeDtypeStruct((_N, _D), _F32),
        ],
        mesh=_sc_mesh(),
        scratch_types=[
            pltpu.VMEM((_GROWS, _GCH), jnp.int32),
            pltpu.VMEM((_GCH, _D), _F32),
            pltpu.VMEM((_GCH, _D), _F32),
            pltpu.VMEM((_GCH, _D), _F32),
            pltpu.VMEM_SHARED((_N, _D), _F32),
            pltpu.SemaphoreType.DMA,
            pltpu.SemaphoreType.DMA,
            pltpu.SemaphoreType.DMA,
            pltpu.SemaphoreType.DMA,
            pltpu.SemaphoreType.DMA,
        ],
    )


def _gather(hv, src3, dst3, z128, ones128):
    return _gather_kernel()(hv, src3, dst3, z128, ones128)


def _scatter_body(m1, m0, dst3s, z128,
                  out1, out0,
                  idx_v, rows_v, acc):
    cid = lax.axis_index("c")
    sid = lax.axis_index("s")

    @pl.when(sid < 10)
    def _():
        sl = pl.ds(sid * _NSEG, _NSEG)
        pltpu.sync_copy(z128.at[sl], acc.at[sl])

    ebase = sid * _EPT
    pltpu.sync_copy(dst3s.at[sid], idx_v)
    plsc.subcore_barrier()

    def accum(mref):
        def go(j, carry):
            pltpu.sync_copy(mref.at[pl.ds(ebase + j * _GCH, _GCH)], rows_v)
            pltpu.sync_copy(rows_v, acc.at[idx_v.at[j]], add=True)
            return carry
        lax.fori_loop(0, _SROWS, go, 0)

    @pl.when(cid == 0)
    def _():
        accum(m1)

    @pl.when(cid == 1)
    def _():
        accum(m0)

    plsc.subcore_barrier()

    @pl.when((sid < 10) & (cid == 0))
    def _():
        sl = pl.ds(sid * _NSEG, _NSEG)
        pltpu.sync_copy(acc.at[sl], out1.at[sl])

    @pl.when((sid < 10) & (cid == 1))
    def _():
        sl = pl.ds(sid * _NSEG, _NSEG)
        pltpu.sync_copy(acc.at[sl], out0.at[sl])


@functools.cache
def _scatter_kernel():
    return pl.kernel(
        _scatter_body,
        out_type=[
            jax.ShapeDtypeStruct((_N, _D), _F32),
            jax.ShapeDtypeStruct((_N, _D), _F32),
        ],
        mesh=_sc_mesh(),
        scratch_types=[
            pltpu.VMEM((_SROWS, _GCH), jnp.int32),
            pltpu.VMEM((_GCH, _D), _F32),
            pltpu.VMEM_SHARED((_N, _D), _F32),
        ],
    )


def _scatter(m1, m0, dst3s, z128):
    return _scatter_kernel()(m1, m0, dst3s, z128)



def kernel(x, l_e, edge_index, p_v, p_e, p_e1, p_e0, p_aggr):
    src3 = edge_index[0].reshape(_NW, _GROWS, _GCH)
    dst3 = edge_index[1].reshape(_NW, _GROWS, _GCH)
    dst3s = edge_index[1].reshape(_NS, _SROWS, _GCH)
    z128 = jnp.zeros((_N, _D), _F32)
    ones128 = jnp.ones((_GCH, _D), _F32)
    hv = _node_mlp(x, p_v)
    hsd, deg0, deg1 = _gather(hv, src3, dst3, z128, ones128)
    m1, m0 = _edge_mlp(hsd, l_e, p_e, p_e1, p_e0)
    s1, s0 = _scatter(m1, m0, dst3s, z128)
    return _finalize(hv, s1, s0, deg0, deg1, p_aggr)

# --- scband reference (transcript-rebuilt; emitter-appended) ---
"""Pipeline reference for scband-gnn-42253888258070 (READ-ONLY COPY).

The authoritative reference and input builder live on the scoring server;
editing this copy changes nothing except your own understanding.
"""

import jax, jax.numpy as jnp
import numpy as np

N = 10000
E = 320000
D = 128
T = 1


def _mlp_params(key, in_dim, out_dim):
    k1, k2, k3, k4, k5, k6 = jax.random.split(key, 6)
    s1 = 1.0 / np.sqrt(in_dim)
    s2 = 1.0 / np.sqrt(256)
    s3 = 1.0 / np.sqrt(128)
    return {
        'W1': jax.random.uniform(k1, (in_dim, 256), jnp.float32, -s1, s1),
        'b1': jax.random.uniform(k2, (256,), jnp.float32, -s1, s1),
        'W2': jax.random.uniform(k3, (256, 128), jnp.float32, -s2, s2),
        'b2': jax.random.uniform(k4, (128,), jnp.float32, -s2, s2),
        'W3': jax.random.uniform(k5, (128, out_dim), jnp.float32, -s3, s3),
        'b3': jax.random.uniform(k6, (out_dim,), jnp.float32, -s3, s3),
    }


def _mlp_apply(p, x):
    # dropout is identity in eval mode
    h = jax.nn.relu(x @ p['W1'] + p['b1'])
    h = jax.nn.relu(h @ p['W2'] + p['b2'])
    return h @ p['W3'] + p['b3']


def setup_inputs(seed: int = 0) -> dict:
    key = jax.random.key(seed)
    ks = jax.random.split(key, 8)
    x = jax.random.normal(ks[0], (N, D), dtype=jnp.float32)
    l_e = jax.random.uniform(ks[1], (E, 1), dtype=jnp.float32)
    edge_index = jax.random.randint(ks[2], (2, E), 0, N, dtype=jnp.int64 if jax.config.jax_enable_x64 else jnp.int32).astype(jnp.int32)
    return {
        'x': x,
        'l_e': l_e,
        'edge_index': edge_index,
        'p_v': _mlp_params(ks[3], D, D),
        'p_e': _mlp_params(ks[4], 1, D),
        'p_e1': _mlp_params(ks[5], 3 * D, D),
        'p_e0': _mlp_params(ks[6], 3 * D, D),
        'p_aggr': _mlp_params(ks[7], 3 * D, D),
    }


def reference(x, l_e, edge_index, p_v, p_e, p_e1, p_e0, p_aggr):
    src = edge_index[0]
    dst = edge_index[1]
    # node/edge embedding MLPs
    h_v = _mlp_apply(p_v, x)
    h_e = _mlp_apply(p_e, l_e)
    # in-degree per dst node (mean over mailbox); clamp to avoid div-by-zero
    deg = jax.ops.segment_sum(jnp.ones((E,), jnp.float32), dst, num_segments=N)
    deg = jnp.maximum(deg, 1.0)[:, None]
    for t in range(T):
        inp = jnp.concatenate([h_v[src], h_v[dst], h_e], axis=1)
        m1 = _mlp_apply(p_e1, inp)
        m0 = _mlp_apply(p_e0, inp)
        avg_m1 = jax.ops.segment_sum(m1, dst, num_segments=N) / deg
        avg_m0 = jax.ops.segment_sum(m0, dst, num_segments=N) / deg
        upd = jnp.concatenate([h_v, avg_m1, avg_m0], axis=1)
        h_v = _mlp_apply(p_aggr, upd) + h_v
    return h_v

if __name__ == "__main__":
    import jax
    _d = setup_inputs()
    print(jax.jit(kernel)(*tuple(_d.values())))

</pallas_src>

<mosaic_0001>
#map = affine_map<(d0, d1) -> (0, 0)>
#map1 = affine_map<(d0, d1) -> (0, 0, 0)>
module attributes {stable_mosaic.version = 14 : i64} {
  func.func @_gather_body(%arg0: i32, %arg1: i32, %arg2: memref<10000x128xf32, #tpu.memory_space<hbm>>, %arg3: memref<32x125x80xi32, #tpu.memory_space<hbm>>, %arg4: memref<32x125x80xi32, #tpu.memory_space<hbm>>, %arg5: memref<10000x128xf32, #tpu.memory_space<hbm>>, %arg6: memref<80x128xf32, #tpu.memory_space<hbm>>, %arg7: memref<320000x256xf32, #tpu.memory_space<hbm>>, %arg8: memref<10000x128xf32, #tpu.memory_space<hbm>>, %arg9: memref<10000x128xf32, #tpu.memory_space<hbm>>, %arg10: memref<125x80xi32, #tpu.memory_space<vmem>>, %arg11: memref<80x128xf32, #tpu.memory_space<vmem>>, %arg12: memref<80x128xf32, #tpu.memory_space<vmem>>, %arg13: memref<80x128xf32, #tpu.memory_space<vmem>>, %arg14: memref<10000x128xf32, #tpu.memory_space<vmem_shared>>, %arg15: memref<!tpu.dma_semaphore, #tpu.memory_space<semaphore_mem>>, %arg16: memref<!tpu.dma_semaphore, #tpu.memory_space<semaphore_mem>>, %arg17: memref<!tpu.dma_semaphore, #tpu.memory_space<semaphore_mem>>, %arg18: memref<!tpu.dma_semaphore, #tpu.memory_space<semaphore_mem>>, %arg19: memref<!tpu.dma_semaphore, #tpu.memory_space<semaphore_mem>>) attributes {dimension_semantics = [#tpu.dimension_semantics<core_parallel>, #tpu.dimension_semantics<subcore_parallel>], iteration_bounds = array<i64: 2, 16>, scalar_prefetch = 0 : i64, scratch_operands = 10 : i64, tpu.core_type = #tpu.core_type<sc_vector_subcore>, window_params = [{transform_indices = #map}, {transform_indices = #map1}, {transform_indices = #map1}, {transform_indices = #map}, {transform_indices = #map}, {transform_indices = #map}, {transform_indices = #map}, {transform_indices = #map}]} {
    %mul3A = arith.constant 2 : i32
    %mul3A_0 = arith.muli %arg1, %mul3A : i32
    %add3A = arith.addi %mul3A_0, %arg0 : i32
    %mul3A_1 = arith.constant 10000 : i32
    %mul3A_2 = arith.muli %add3A, %mul3A_1 : i32
    %lt3A = arith.constant 10 : i32
    %lt3A_3 = arith.cmpi slt, %arg1, %lt3A : i32
    %convert_element_type3A = arith.extui %lt3A_3 : i1 to i32
    %cond3A = arith.constant 0 : i32
    %cond3A_4 = arith.cmpi ne, %convert_element_type3A, %cond3A : i32
    scf.if %cond3A_4 {
      %mul3A_87 = arith.constant 1000 : i32
      %mul3A_88 = arith.muli %arg1, %mul3A_87 : i32
      "tpu.region"() ({
        %run_scoped3A = tpu.sem_alloc : memref<!tpu.dma_semaphore, #tpu.memory_space<semaphore_mem>>
        %dma_start3A_89 = arith.constant 0 : i32
        %dma_start3A_90 = tpu.memref_slice %arg14[%mul3A_88, %dma_start3A_89] : memref<10000x128xf32, #tpu.memory_space<vmem_shared>> -> memref<1000x128xf32, #tpu.memory_space<vmem_shared>>
        %dma_start3A_91 = arith.constant 0 : i32
        %dma_start3A_92 = tpu.memref_slice %arg5[%mul3A_88, %dma_start3A_91] : memref<10000x128xf32, #tpu.memory_space<hbm>> -> memref<1000x128xf32, #tpu.memory_space<hbm>>
        tpu.enqueue_dma source(%dma_start3A_92 : memref<1000x128xf32, #tpu.memory_space<hbm>>) target(%dma_start3A_90 : memref<1000x128xf32, #tpu.memory_space<vmem_shared>>) target_semaphore(%run_scoped3A : memref<!tpu.dma_semaphore, #tpu.memory_space<semaphore_mem>>)
        %dma_wait3A_93 = arith.constant 0 : i32
        %dma_wait3A_94 = tpu.memref_slice %arg14[%mul3A_88, %dma_wait3A_93] : memref<10000x128xf32, #tpu.memory_space<vmem_shared>> -> memref<1000x128xf32, #tpu.memory_space<vmem_shared>>
        %dma_wait3A_95 = arith.constant 0 : i32
        %dma_wait3A_96 = tpu.memref_slice %arg5[%mul3A_88, %dma_wait3A_95] : memref<10000x128xf32, #tpu.memory_space<hbm>> -> memref<1000x128xf32, #tpu.memory_space<hbm>>
        tpu.wait_dma2 semaphore(%run_scoped3A : memref<!tpu.dma_semaphore, #tpu.memory_space<semaphore_mem>>) src(%dma_wait3A_96 : memref<1000x128xf32, #tpu.memory_space<hbm>>) dst(%dma_wait3A_94 : memref<1000x128xf32, #tpu.memory_space<vmem_shared>>)
        tpu.yield
      }) : () -> ()
    } else {
    }
    "tpu.region"() ({
      %run_scoped3A = tpu.sem_alloc : memref<!tpu.dma_semaphore, #tpu.memory_space<semaphore_mem>>
      tpu.enqueue_dma source(%arg6 : memref<80x128xf32, #tpu.memory_space<hbm>>) target(%arg13 : memref<80x128xf32, #tpu.memory_space<vmem>>) target_semaphore(%run_scoped3A : memref<!tpu.dma_semaphore, #tpu.memory_space<semaphore_mem>>)
      tpu.wait_dma2 semaphore(%run_scoped3A : memref<!tpu.dma_semaphore, #tpu.memory_space<semaphore_mem>>) src(%arg6 : memref<80x128xf32, #tpu.memory_space<hbm>>) dst(%arg13 : memref<80x128xf32, #tpu.memory_space<vmem>>)
      tpu.yield
    }) : () -> ()
    %barrier3A = arith.constant 0 : index
    tpu.barrier barrier_id(%barrier3A)
    "tpu.region"() ({
      %run_scoped3A = tpu.sem_alloc : memref<!tpu.dma_semaphore, #tpu.memory_space<semaphore_mem>>
      %dma_start3A_87 = arith.constant 0 : i32
      %dma_start3A_88 = arith.constant 0 : i32
      %dma_start3A_89 = tpu.memref_slice %arg3[%add3A, %dma_start3A_87, %dma_start3A_88] : memref<32x125x80xi32, #tpu.memory_space<hbm>> -> memref<1x125x80xi32, #tpu.memory_space<hbm>>
      %dma_start3A_90 = tpu.memref_squeeze %dma_start3A_89 : memref<1x125x80xi32, #tpu.memory_space<hbm>> -> memref<125x80xi32, #tpu.memory_space<hbm>>
      %dma_start3A_91 = arith.constant 0 : i32
      %dma_start3A_92 = arith.constant 0 : i32
      %dma_start3A_93 = tpu.memref_slice %arg3[%add3A, %dma_start3A_91, %dma_start3A_92] : memref<32x125x80xi32, #tpu.memory_space<hbm>> -> memref<1x125x80xi32, #tpu.memory_space<hbm>>
      %dma_start3A_94 = tpu.memref_squeeze %dma_start3A_93 : memref<1x125x80xi32, #tpu.memory_space<hbm>> -> memref<125x80xi32, #tpu.memory_space<hbm>>
      tpu.enqueue_dma source(%dma_start3A_94 : memref<125x80xi32, #tpu.memory_space<hbm>>) target(%arg10 : memref<125x80xi32, #tpu.memory_space<vmem>>) target_semaphore(%run_scoped3A : memref<!tpu.dma_semaphore, #tpu.memory_space<semaphore_mem>>)
      %dma_wait3A_95 = arith.constant 0 : i32
      %dma_wait3A_96 = arith.constant 0 : i32
      %dma_wait3A_97 = tpu.memref_slice %arg3[%add3A, %dma_wait3A_95, %dma_wait3A_96] : memref<32x125x80xi32, #tpu.memory_space<hbm>> -> memref<1x125x80xi32, #tpu.memory_space<hbm>>
      %dma_wait3A_98 = tpu.memref_squeeze %dma_wait3A_97 : memref<1x125x80xi32, #tpu.memory_space<hbm>> -> memref<125x80xi32, #tpu.memory_space<hbm>>
      %dma_wait3A_99 = arith.constant 0 : i32
      %dma_wait3A_100 = arith.constant 0 : i32
      %dma_wait3A_101 = tpu.memref_slice %arg3[%add3A, %dma_wait3A_99, %dma_wait3A_100] : memref<32x125x80xi32, #tpu.memory_space<hbm>> -> memref<1x125x80xi32, #tpu.memory_space<hbm>>
      %dma_wait3A_102 = tpu.memref_squeeze %dma_wait3A_101 : memref<1x125x80xi32, #tpu.memory_space<hbm>> -> memref<125x80xi32, #tpu.memory_space<hbm>>
      tpu.wait_dma2 semaphore(%run_scoped3A : memref<!tpu.dma_semaphore, #tpu.memory_space<semaphore_mem>>) src(%dma_wait3A_102 : memref<125x80xi32, #tpu.memory_space<hbm>>) dst(%arg10 : memref<125x80xi32, #tpu.memory_space<vmem>>)
      tpu.yield
    }) : () -> ()
    %dma_start3A = arith.constant 0 : i32
    %dma_start3A_5 = arith.constant 0 : i32
    %dma_start3A_6 = tpu.memref_slice %arg10[%dma_start3A, %dma_start3A_5] : memref<125x80xi32, #tpu.memory_space<vmem>> -> memref<1x80xi32, #tpu.memory_space<vmem>>
    %dma_start3A_7 = tpu.memref_squeeze %dma_start3A_6 : memref<1x80xi32, #tpu.memory_space<vmem>> -> memref<80xi32, #tpu.memory_space<vmem>>
    %dma_start3A_8 = arith.constant 0 : i32
    %dma_start3A_9 = arith.constant 0 : i32
    %dma_start3A_10 = tpu.memref_slice %arg2[%dma_start3A_8, %dma_start3A_9] : memref<10000x128xf32, #tpu.memory_space<hbm>> -> memref<10000x128xf32, #tpu.memory_space<hbm>>
    tpu.enqueue_indirect_dma source(%dma_start3A_10 : memref<10000x128xf32, #tpu.memory_space<hbm>>) target(%arg11 : memref<80x128xf32, #tpu.memory_space<vmem>>) offsets(%dma_start3A_7 : memref<80xi32, #tpu.memory_space<vmem>>) semaphore(%arg15 : memref<!tpu.dma_semaphore, #tpu.memory_space<semaphore_mem>>)
    %scan3A = arith.constant 0 : i32
    %scan3A_11 = arith.constant 0 : i32
    %scan3A_12 = arith.constant 62 : i32
    %scan3A_13 = arith.addi %scan3A_11, %scan3A_12 : i32
    %scan3A_14 = arith.constant 1 : i32
    scf.for %scan3A_87 = %scan3A_11 to %scan3A_13 step %scan3A_14  : i32 {
      %mul3A_88 = arith.constant 2 : i32
      %mul3A_89 = arith.muli %mul3A_88, %scan3A_87 : i32
      %dma_wait3A_90 = arith.constant 0 : i32
      %dma_wait3A_91 = tpu.memref_slice %arg10[%mul3A_89, %dma_wait3A_90] : memref<125x80xi32, #tpu.memory_space<vmem>> -> memref<1x80xi32, #tpu.memory_space<vmem>>
      %dma_wait3A_92 = tpu.memref_squeeze %dma_wait3A_91 : memref<1x80xi32, #tpu.memory_space<vmem>> -> memref<80xi32, #tpu.memory_space<vmem>>
      %dma_wait3A_93 = arith.constant 0 : i32
      %dma_wait3A_94 = arith.constant 0 : i32
      %dma_wait3A_95 = tpu.memref_slice %arg2[%dma_wait3A_93, %dma_wait3A_94] : memref<10000x128xf32, #tpu.memory_space<hbm>> -> memref<10000x128xf32, #tpu.memory_space<hbm>>
      tpu.wait_indirect_dma semaphore(%arg15 : memref<!tpu.dma_semaphore, #tpu.memory_space<semaphore_mem>>) src(%dma_wait3A_95 : memref<10000x128xf32, #tpu.memory_space<hbm>>) dst(%arg11 : memref<80x128xf32, #tpu.memory_space<vmem>>)
      %mul3A_96 = arith.constant 80 : i32
      %mul3A_97 = arith.muli %mul3A_89, %mul3A_96 : i32
      %add3A_98 = arith.addi %mul3A_2, %mul3A_97 : i32
      %dma_start3A_99 = arith.constant 0 : i32
      %dma_start3A_100 = tpu.memref_slice %arg7[%add3A_98, %dma_start3A_99] : memref<320000x256xf32, #tpu.memory_space<hbm>> -> memref<80x128xf32, #tpu.memory_space<hbm>>
      %dma_start3A_101 = arith.constant 0 : i32
      %dma_start3A_102 = tpu.memref_slice %arg7[%add3A_98, %dma_start3A_101] : memref<320000x256xf32, #tpu.memory_space<hbm>> -> memref<80x128xf32, #tpu.memory_space<hbm>>
      tpu.enqueue_dma source(%arg11 : memref<80x128xf32, #tpu.memory_space<vmem>>) target(%dma_start3A_102 : memref<80x128xf32, #tpu.memory_space<hbm>>) target_semaphore(%arg17 : memref<!tpu.dma_semaphore, #tpu.memory_space<semaphore_mem>>)
      %add3A_103 = arith.constant 1 : i32
      %add3A_104 = arith.addi %mul3A_89, %add3A_103 : i32
      %dma_start3A_105 = arith.constant 0 : i32
      %dma_start3A_106 = tpu.memref_slice %arg10[%add3A_104, %dma_start3A_105] : memref<125x80xi32, #tpu.memory_space<vmem>> -> memref<1x80xi32, #tpu.memory_space<vmem>>
      %dma_start3A_107 = tpu.memref_squeeze %dma_start3A_106 : memref<1x80xi32, #tpu.memory_space<vmem>> -> memref<80xi32, #tpu.memory_space<vmem>>
      %dma_start3A_108 = arith.constant 0 : i32
      %dma_start3A_109 = arith.constant 0 : i32
      %dma_start3A_110 = tpu.memref_slice %arg2[%dma_start3A_108, %dma_start3A_109] : memref<10000x128xf32, #tpu.memory_space<hbm>> -> memref<10000x128xf32, #tpu.memory_space<hbm>>
      tpu.enqueue_indirect_dma source(%dma_start3A_110 : memref<10000x128xf32, #tpu.memory_space<hbm>>) target(%arg12 : memref<80x128xf32, #tpu.memory_space<vmem>>) offsets(%dma_start3A_107 : memref<80xi32, #tpu.memory_space<vmem>>) semaphore(%arg16 : memref<!tpu.dma_semaphore, #tpu.memory_space<semaphore_mem>>)
      %mul3A_111 = arith.constant 80 : i32
      %mul3A_112 = arith.muli %mul3A_89, %mul3A_111 : i32
      %add3A_113 = arith.addi %mul3A_2, %mul3A_112 : i32
      %dma_wait3A_114 = arith.constant 0 : i32
      %dma_wait3A_115 = tpu.memref_slice %arg7[%add3A_113, %dma_wait3A_114] : memref<320000x256xf32, #tpu.memory_space<hbm>> -> memref<80x128xf32, #tpu.memory_space<hbm>>
      %dma_wait3A_116 = arith.constant 0 : i32
      %dma_wait3A_117 = tpu.memref_slice %arg7[%add3A_113, %dma_wait3A_116] : memref<320000x256xf32, #tpu.memory_space<hbm>> -> memref<80x128xf32, #tpu.memory_space<hbm>>
      tpu.wait_dma2 semaphore(%arg17 : memref<!tpu.dma_semaphore, #tpu.memory_space<semaphore_mem>>) src(%arg11 : memref<80x128xf32, #tpu.memory_space<vmem>>) dst(%dma_wait3A_117 : memref<80x128xf32, #tpu.memory_space<hbm>>)
      %add3A_118 = arith.constant 1 : i32
      %add3A_119 = arith.addi %mul3A_89, %add3A_118 : i32
      %dma_wait3A_120 = arith.constant 0 : i32
      %dma_wait3A_121 = tpu.memref_slice %arg10[%add3A_119, %dma_wait3A_120] : memref<125x80xi32, #tpu.memory_space<vmem>> -> memref<1x80xi32, #tpu.memory_space<vmem>>
      %dma_wait3A_122 = tpu.memref_squeeze %dma_wait3A_121 : memref<1x80xi32, #tpu.memory_space<vmem>> -> memref<80xi32, #tpu.memory_space<vmem>>
      %dma_wait3A_123 = arith.constant 0 : i32
      %dma_wait3A_124 = arith.constant 0 : i32
      %dma_wait3A_125 = tpu.memref_slice %arg2[%dma_wait3A_123, %dma_wait3A_124] : memref<10000x128xf32, #tpu.memory_space<hbm>> -> memref<10000x128xf32, #tpu.memory_space<hbm>>
      tpu.wait_indirect_dma semaphore(%arg16 : memref<!tpu.dma_semaphore, #tpu.memory_space<semaphore_mem>>) src(%dma_wait3A_125 : memref<10000x128xf32, #tpu.memory_space<hbm>>) dst(%arg12 : memref<80x128xf32, #tpu.memory_space<vmem>>)
      %add3A_126 = arith.constant 2 : i32
      %add3A_127 = arith.addi %mul3A_89, %add3A_126 : i32
      %dma_start3A_128 = arith.constant 0 : i32
      %dma_start3A_129 = tpu.memref_slice %arg10[%add3A_127, %dma_start3A_128] : memref<125x80xi32, #tpu.memory_space<vmem>> -> memref<1x80xi32, #tpu.memory_space<vmem>>
      %dma_start3A_130 = tpu.memref_squeeze %dma_start3A_129 : memref<1x80xi32, #tpu.memory_space<vmem>> -> memref<80xi32, #tpu.memory_space<vmem>>
      %dma_start3A_131 = arith.constant 0 : i32
      %dma_start3A_132 = arith.constant 0 : i32
      %dma_start3A_133 = tpu.memref_slice %arg2[%dma_start3A_131, %dma_start3A_132] : memref<10000x128xf32, #tpu.memory_space<hbm>> -> memref<10000x128xf32, #tpu.memory_space<hbm>>
      tpu.enqueue_indirect_dma source(%dma_start3A_133 : memref<10000x128xf32, #tpu.memory_space<hbm>>) target(%arg11 : memref<80x128xf32, #tpu.memory_space<vmem>>) offsets(%dma_start3A_130 : memref<80xi32, #tpu.memory_space<vmem>>) semaphore(%arg15 : memref<!tpu.dma_semaphore, #tpu.memory_space<semaphore_mem>>)
      %add3A_134 = arith.constant 1 : i32
      %add3A_135 = arith.addi %mul3A_89, %add3A_134 : i32
      %mul3A_136 = arith.constant 80 : i32
      %mul3A_137 = arith.muli %add3A_135, %mul3A_136 : i32
      %add3A_138 = arith.addi %mul3A_2, %mul3A_137 : i32
      %dma_start3A_139 = arith.constant 0 : i32
      %dma_start3A_140 = tpu.memref_slice %arg7[%add3A_138, %dma_start3A_139] : memref<320000x256xf32, #tpu.memory_space<hbm>> -> memref<80x128xf32, #tpu.memory_space<hbm>>
      %dma_start3A_141 = arith.constant 0 : i32
      %dma_start3A_142 = tpu.memref_slice %arg7[%add3A_138, %dma_start3A_141] : memref<320000x256xf32, #tpu.memory_space<hbm>> -> memref<80x128xf32, #tpu.memory_space<hbm>>
      tpu.enqueue_dma source(%arg12 : memref<80x128xf32, #tpu.memory_space<vmem>>) target(%dma_start3A_142 : memref<80x128xf32, #tpu.memory_space<hbm>>) target_semaphore(%arg18 : memref<!tpu.dma_semaphore, #tpu.memory_space<semaphore_mem>>)
      %add3A_143 = arith.constant 1 : i32
      %add3A_144 = arith.addi %mul3A_89, %add3A_143 : i32
      %mul3A_145 = arith.constant 80 : i32
      %mul3A_146 = arith.muli %add3A_144, %mul3A_145 : i32
      %add3A_147 = arith.addi %mul3A_2, %mul3A_146 : i32
      %dma_wait3A_148 = arith.constant 0 : i32
      %dma_wait3A_149 = tpu.memref_slice %arg7[%add3A_147, %dma_wait3A_148] : memref<320000x256xf32, #tpu.memory_space<hbm>> -> memref<80x128xf32, #tpu.memory_space<hbm>>
      %dma_wait3A_150 = arith.constant 0 : i32
      %dma_wait3A_151 = tpu.memref_slice %arg7[%add3A_147, %dma_wait3A_150] : memref<320000x256xf32, #tpu.memory_space<hbm>> -> memref<80x128xf32, #tpu.memory_space<hbm>>
      tpu.wait_dma2 semaphore(%arg18 : memref<!tpu.dma_semaphore, #tpu.memory_space<semaphore_mem>>) src(%arg12 : memref<80x128xf32, #tpu.memory_space<vmem>>) dst(%dma_wait3A_151 : memref<80x128xf32, #tpu.memory_space<hbm>>)
    }
    %scan3A_15 = arith.constant 62 : i32
    %dma_wait3A = arith.constant 124 : i32
    %dma_wait3A_16 = arith.constant 0 : i32
    %dma_wait3A_17 = tpu.memref_slice %arg10[%dma_wait3A, %dma_wait3A_16] : memref<125x80xi32, #tpu.memory_space<vmem>> -> memref<1x80xi32, #tpu.memory_space<vmem>>
    %dma_wait3A_18 = tpu.memref_squeeze %dma_wait3A_17 : memref<1x80xi32, #tpu.memory_space<vmem>> -> memref<80xi32, #tpu.memory_space<vmem>>
    %dma_wait3A_19 = arith.constant 0 : i32
    %dma_wait3A_20 = arith.constant 0 : i32
    %dma_wait3A_21 = tpu.memref_slice %arg2[%dma_wait3A_19, %dma_wait3A_20] : memref<10000x128xf32, #tpu.memory_space<hbm>> -> memref<10000x128xf32, #tpu.memory_space<hbm>>
    tpu.wait_indirect_dma semaphore(%arg15 : memref<!tpu.dma_semaphore, #tpu.memory_space<semaphore_mem>>) src(%dma_wait3A_21 : memref<10000x128xf32, #tpu.memory_space<hbm>>) dst(%arg11 : memref<80x128xf32, #tpu.memory_space<vmem>>)
    %add3A_22 = arith.constant 9920 : i32
    %add3A_23 = arith.addi %mul3A_2, %add3A_22 : i32
    %dma_start3A_24 = arith.constant 0 : i32
    %dma_start3A_25 = tpu.memref_slice %arg7[%add3A_23, %dma_start3A_24] : memref<320000x256xf32, #tpu.memory_space<hbm>> -> memref<80x128xf32, #tpu.memory_space<hbm>>
    %dma_start3A_26 = arith.constant 0 : i32
    %dma_start3A_27 = tpu.memref_slice %arg7[%add3A_23, %dma_start3A_26] : memref<320000x256xf32, #tpu.memory_space<hbm>> -> memref<80x128xf32, #tpu.memory_space<hbm>>
    tpu.enqueue_dma source(%arg11 : memref<80x128xf32, #tpu.memory_space<vmem>>) target(%dma_start3A_27 : memref<80x128xf32, #tpu.memory_space<hbm>>) target_semaphore(%arg17 : memref<!tpu.dma_semaphore, #tpu.memory_space<semaphore_mem>>)
    %add3A_28 = arith.constant 9920 : i32
    %add3A_29 = arith.addi %mul3A_2, %add3A_28 : i32
    %dma_wait3A_30 = arith.constant 0 : i32
    %dma_wait3A_31 = tpu.memref_slice %arg7[%add3A_29, %dma_wait3A_30] : memref<320000x256xf32, #tpu.memory_space<hbm>> -> memref<80x128xf32, #tpu.memory_space<hbm>>
    %dma_wait3A_32 = arith.constant 0 : i32
    %dma_wait3A_33 = tpu.memref_slice %arg7[%add3A_29, %dma_wait3A_32] : memref<320000x256xf32, #tpu.memory_space<hbm>> -> memref<80x128xf32, #tpu.memory_space<hbm>>
    tpu.wait_dma2 semaphore(%arg17 : memref<!tpu.dma_semaphore, #tpu.memory_space<semaphore_mem>>) src(%arg11 : memref<80x128xf32, #tpu.memory_space<vmem>>) dst(%dma_wait3A_33 : memref<80x128xf32, #tpu.memory_space<hbm>>)
    "tpu.region"() ({
      %run_scoped3A = tpu.sem_alloc : memref<!tpu.dma_semaphore, #tpu.memory_space<semaphore_mem>>
      %dma_start3A_87 = arith.constant 0 : i32
      %dma_start3A_88 = arith.constant 0 : i32
      %dma_start3A_89 = tpu.memref_slice %arg4[%add3A, %dma_start3A_87, %dma_start3A_88] : memref<32x125x80xi32, #tpu.memory_space<hbm>> -> memref<1x125x80xi32, #tpu.memory_space<hbm>>
      %dma_start3A_90 = tpu.memref_squeeze %dma_start3A_89 : memref<1x125x80xi32, #tpu.memory_space<hbm>> -> memref<125x80xi32, #tpu.memory_space<hbm>>
      %dma_start3A_91 = arith.constant 0 : i32
      %dma_start3A_92 = arith.constant 0 : i32
      %dma_start3A_93 = tpu.memref_slice %arg4[%add3A, %dma_start3A_91, %dma_start3A_92] : memref<32x125x80xi32, #tpu.memory_space<hbm>> -> memref<1x125x80xi32, #tpu.memory_space<hbm>>
      %dma_start3A_94 = tpu.memref_squeeze %dma_start3A_93 : memref<1x125x80xi32, #tpu.memory_space<hbm>> -> memref<125x80xi32, #tpu.memory_space<hbm>>
      tpu.enqueue_dma source(%dma_start3A_94 : memref<125x80xi32, #tpu.memory_space<hbm>>) target(%arg10 : memref<125x80xi32, #tpu.memory_space<vmem>>) target_semaphore(%run_scoped3A : memref<!tpu.dma_semaphore, #tpu.memory_space<semaphore_mem>>)
      %dma_wait3A_95 = arith.constant 0 : i32
      %dma_wait3A_96 = arith.constant 0 : i32
      %dma_wait3A_97 = tpu.memref_slice %arg4[%add3A, %dma_wait3A_95, %dma_wait3A_96] : memref<32x125x80xi32, #tpu.memory_space<hbm>> -> memref<1x125x80xi32, #tpu.memory_space<hbm>>
      %dma_wait3A_98 = tpu.memref_squeeze %dma_wait3A_97 : memref<1x125x80xi32, #tpu.memory_space<hbm>> -> memref<125x80xi32, #tpu.memory_space<hbm>>
      %dma_wait3A_99 = arith.constant 0 : i32
      %dma_wait3A_100 = arith.constant 0 : i32
      %dma_wait3A_101 = tpu.memref_slice %arg4[%add3A, %dma_wait3A_99, %dma_wait3A_100] : memref<32x125x80xi32, #tpu.memory_space<hbm>> -> memref<1x125x80xi32, #tpu.memory_space<hbm>>
      %dma_wait3A_102 = tpu.memref_squeeze %dma_wait3A_101 : memref<1x125x80xi32, #tpu.memory_space<hbm>> -> memref<125x80xi32, #tpu.memory_space<hbm>>
      tpu.wait_dma2 semaphore(%run_scoped3A : memref<!tpu.dma_semaphore, #tpu.memory_space<semaphore_mem>>) src(%dma_wait3A_102 : memref<125x80xi32, #tpu.memory_space<hbm>>) dst(%arg10 : memref<125x80xi32, #tpu.memory_space<vmem>>)
      tpu.yield
    }) : () -> ()
    %dma_start3A_34 = arith.constant 0 : i32
    %dma_start3A_35 = arith.constant 0 : i32
    %dma_start3A_36 = tpu.memref_slice %arg10[%dma_start3A_34, %dma_start3A_35] : memref<125x80xi32, #tpu.memory_space<vmem>> -> memref<1x80xi32, #tpu.memory_space<vmem>>
    %dma_start3A_37 = tpu.memref_squeeze %dma_start3A_36 : memref<1x80xi32, #tpu.memory_space<vmem>> -> memref<80xi32, #tpu.memory_space<vmem>>
    %dma_start3A_38 = arith.constant 0 : i32
    %dma_start3A_39 = arith.constant 0 : i32
    %dma_start3A_40 = tpu.memref_slice %arg2[%dma_start3A_38, %dma_start3A_39] : memref<10000x128xf32, #tpu.memory_space<hbm>> -> memref<10000x128xf32, #tpu.memory_space<hbm>>
    tpu.enqueue_indirect_dma source(%dma_start3A_40 : memref<10000x128xf32, #tpu.memory_space<hbm>>) target(%arg11 : memref<80x128xf32, #tpu.memory_space<vmem>>) offsets(%dma_start3A_37 : memref<80xi32, #tpu.memory_space<vmem>>) semaphore(%arg15 : memref<!tpu.dma_semaphore, #tpu.memory_space<semaphore_mem>>)
    %scan3A_41 = arith.constant 0 : i32
    %scan3A_42 = arith.constant 0 : i32
    %scan3A_43 = arith.constant 62 : i32
    %scan3A_44 = arith.addi %scan3A_42, %scan3A_43 : i32
    %scan3A_45 = arith.constant 1 : i32
    scf.for %scan3A_87 = %scan3A_42 to %scan3A_44 step %scan3A_45  : i32 {
      %mul3A_88 = arith.constant 2 : i32
      %mul3A_89 = arith.muli %mul3A_88, %scan3A_87 : i32
      %dma_wait3A_90 = arith.constant 0 : i32
      %dma_wait3A_91 = tpu.memref_slice %arg10[%mul3A_89, %dma_wait3A_90] : memref<125x80xi32, #tpu.memory_space<vmem>> -> memref<1x80xi32, #tpu.memory_space<vmem>>
      %dma_wait3A_92 = tpu.memref_squeeze %dma_wait3A_91 : memref<1x80xi32, #tpu.memory_space<vmem>> -> memref<80xi32, #tpu.memory_space<vmem>>
      %dma_wait3A_93 = arith.constant 0 : i32
      %dma_wait3A_94 = arith.constant 0 : i32
      %dma_wait3A_95 = tpu.memref_slice %arg2[%dma_wait3A_93, %dma_wait3A_94] : memref<10000x128xf32, #tpu.memory_space<hbm>> -> memref<10000x128xf32, #tpu.memory_space<hbm>>
      tpu.wait_indirect_dma semaphore(%arg15 : memref<!tpu.dma_semaphore, #tpu.memory_space<semaphore_mem>>) src(%dma_wait3A_95 : memref<10000x128xf32, #tpu.memory_space<hbm>>) dst(%arg11 : memref<80x128xf32, #tpu.memory_space<vmem>>)
      %mul3A_96 = arith.constant 80 : i32
      %mul3A_97 = arith.muli %mul3A_89, %mul3A_96 : i32
      %add3A_98 = arith.addi %mul3A_2, %mul3A_97 : i32
      %dma_start3A_99 = arith.constant 128 : i32
      %dma_start3A_100 = tpu.memref_slice %arg7[%add3A_98, %dma_start3A_99] : memref<320000x256xf32, #tpu.memory_space<hbm>> -> memref<80x128xf32, #tpu.memory_space<hbm>>
      %dma_start3A_101 = arith.constant 128 : i32
      %dma_start3A_102 = tpu.memref_slice %arg7[%add3A_98, %dma_start3A_101] : memref<320000x256xf32, #tpu.memory_space<hbm>> -> memref<80x128xf32, #tpu.memory_space<hbm>>
      tpu.enqueue_dma source(%arg11 : memref<80x128xf32, #tpu.memory_space<vmem>>) target(%dma_start3A_102 : memref<80x128xf32, #tpu.memory_space<hbm>>) target_semaphore(%arg17 : memref<!tpu.dma_semaphore, #tpu.memory_space<semaphore_mem>>)
      %add3A_103 = arith.constant 1 : i32
      %add3A_104 = arith.addi %mul3A_89, %add3A_103 : i32
      %dma_start3A_105 = arith.constant 0 : i32
      %dma_start3A_106 = tpu.memref_slice %arg10[%add3A_104, %dma_start3A_105] : memref<125x80xi32, #tpu.memory_space<vmem>> -> memref<1x80xi32, #tpu.memory_space<vmem>>
      %dma_start3A_107 = tpu.memref_squeeze %dma_start3A_106 : memref<1x80xi32, #tpu.memory_space<vmem>> -> memref<80xi32, #tpu.memory_space<vmem>>
      %dma_start3A_108 = arith.constant 0 : i32
      %dma_start3A_109 = arith.constant 0 : i32
      %dma_start3A_110 = tpu.memref_slice %arg2[%dma_start3A_108, %dma_start3A_109] : memref<10000x128xf32, #tpu.memory_space<hbm>> -> memref<10000x128xf32, #tpu.memory_space<hbm>>
      tpu.enqueue_indirect_dma source(%dma_start3A_110 : memref<10000x128xf32, #tpu.memory_space<hbm>>) target(%arg12 : memref<80x128xf32, #tpu.memory_space<vmem>>) offsets(%dma_start3A_107 : memref<80xi32, #tpu.memory_space<vmem>>) semaphore(%arg16 : memref<!tpu.dma_semaphore, #tpu.memory_space<semaphore_mem>>)
      %mul3A_111 = arith.constant 80 : i32
      %mul3A_112 = arith.muli %mul3A_89, %mul3A_111 : i32
      %add3A_113 = arith.addi %mul3A_2, %mul3A_112 : i32
      %dma_wait3A_114 = arith.constant 128 : i32
      %dma_wait3A_115 = tpu.memref_slice %arg7[%add3A_113, %dma_wait3A_114] : memref<320000x256xf32, #tpu.memory_space<hbm>> -> memref<80x128xf32, #tpu.memory_space<hbm>>
      %dma_wait3A_116 = arith.constant 128 : i32
      %dma_wait3A_117 = tpu.memref_slice %arg7[%add3A_113, %dma_wait3A_116] : memref<320000x256xf32, #tpu.memory_space<hbm>> -> memref<80x128xf32, #tpu.memory_space<hbm>>
      tpu.wait_dma2 semaphore(%arg17 : memref<!tpu.dma_semaphore, #tpu.memory_space<semaphore_mem>>) src(%arg11 : memref<80x128xf32, #tpu.memory_space<vmem>>) dst(%dma_wait3A_117 : memref<80x128xf32, #tpu.memory_space<hbm>>)
      %add3A_118 = arith.constant 1 : i32
      %add3A_119 = arith.addi %mul3A_89, %add3A_118 : i32
      %dma_wait3A_120 = arith.constant 0 : i32
      %dma_wait3A_121 = tpu.memref_slice %arg10[%add3A_119, %dma_wait3A_120] : memref<125x80xi32, #tpu.memory_space<vmem>> -> memref<1x80xi32, #tpu.memory_space<vmem>>
      %dma_wait3A_122 = tpu.memref_squeeze %dma_wait3A_121 : memref<1x80xi32, #tpu.memory_space<vmem>> -> memref<80xi32, #tpu.memory_space<vmem>>
      %dma_wait3A_123 = arith.constant 0 : i32
      %dma_wait3A_124 = arith.constant 0 : i32
      %dma_wait3A_125 = tpu.memref_slice %arg2[%dma_wait3A_123, %dma_wait3A_124] : memref<10000x128xf32, #tpu.memory_space<hbm>> -> memref<10000x128xf32, #tpu.memory_space<hbm>>
      tpu.wait_indirect_dma semaphore(%arg16 : memref<!tpu.dma_semaphore, #tpu.memory_space<semaphore_mem>>) src(%dma_wait3A_125 : memref<10000x128xf32, #tpu.memory_space<hbm>>) dst(%arg12 : memref<80x128xf32, #tpu.memory_space<vmem>>)
      %add3A_126 = arith.constant 2 : i32
      %add3A_127 = arith.addi %mul3A_89, %add3A_126 : i32
      %dma_start3A_128 = arith.constant 0 : i32
      %dma_start3A_129 = tpu.memref_slice %arg10[%add3A_127, %dma_start3A_128] : memref<125x80xi32, #tpu.memory_space<vmem>> -> memref<1x80xi32, #tpu.memory_space<vmem>>
      %dma_start3A_130 = tpu.memref_squeeze %dma_start3A_129 : memref<1x80xi32, #tpu.memory_space<vmem>> -> memref<80xi32, #tpu.memory_space<vmem>>
      %dma_start3A_131 = arith.constant 0 : i32
      %dma_start3A_132 = arith.constant 0 : i32
      %dma_start3A_133 = tpu.memref_slice %arg2[%dma_start3A_131, %dma_start3A_132] : memref<10000x128xf32, #tpu.memory_space<hbm>> -> memref<10000x128xf32, #tpu.memory_space<hbm>>
      tpu.enqueue_indirect_dma source(%dma_start3A_133 : memref<10000x128xf32, #tpu.memory_space<hbm>>) target(%arg11 : memref<80x128xf32, #tpu.memory_space<vmem>>) offsets(%dma_start3A_130 : memref<80xi32, #tpu.memory_space<vmem>>) semaphore(%arg15 : memref<!tpu.dma_semaphore, #tpu.memory_space<semaphore_mem>>)
      %add3A_134 = arith.constant 1 : i32
      %add3A_135 = arith.addi %mul3A_89, %add3A_134 : i32
      %mul3A_136 = arith.constant 80 : i32
      %mul3A_137 = arith.muli %add3A_135, %mul3A_136 : i32
      %add3A_138 = arith.addi %mul3A_2, %mul3A_137 : i32
      %dma_start3A_139 = arith.constant 128 : i32
      %dma_start3A_140 = tpu.memref_slice %arg7[%add3A_138, %dma_start3A_139] : memref<320000x256xf32, #tpu.memory_space<hbm>> -> memref<80x128xf32, #tpu.memory_space<hbm>>
      %dma_start3A_141 = arith.constant 128 : i32
      %dma_start3A_142 = tpu.memref_slice %arg7[%add3A_138, %dma_start3A_141] : memref<320000x256xf32, #tpu.memory_space<hbm>> -> memref<80x128xf32, #tpu.memory_space<hbm>>
      tpu.enqueue_dma source(%arg12 : memref<80x128xf32, #tpu.memory_space<vmem>>) target(%dma_start3A_142 : memref<80x128xf32, #tpu.memory_space<hbm>>) target_semaphore(%arg18 : memref<!tpu.dma_semaphore, #tpu.memory_space<semaphore_mem>>)
      %add3A_143 = arith.constant 1 : i32
      %add3A_144 = arith.addi %mul3A_89, %add3A_143 : i32
      %mul3A_145 = arith.constant 80 : i32
      %mul3A_146 = arith.muli %add3A_144, %mul3A_145 : i32
      %add3A_147 = arith.addi %mul3A_2, %mul3A_146 : i32
      %dma_wait3A_148 = arith.constant 128 : i32
      %dma_wait3A_149 = tpu.memref_slice %arg7[%add3A_147, %dma_wait3A_148] : memref<320000x256xf32, #tpu.memory_space<hbm>> -> memref<80x128xf32, #tpu.memory_space<hbm>>
      %dma_wait3A_150 = arith.constant 128 : i32
      %dma_wait3A_151 = tpu.memref_slice %arg7[%add3A_147, %dma_wait3A_150] : memref<320000x256xf32, #tpu.memory_space<hbm>> -> memref<80x128xf32, #tpu.memory_space<hbm>>
      tpu.wait_dma2 semaphore(%arg18 : memref<!tpu.dma_semaphore, #tpu.memory_space<semaphore_mem>>) src(%arg12 : memref<80x128xf32, #tpu.memory_space<vmem>>) dst(%dma_wait3A_151 : memref<80x128xf32, #tpu.memory_space<hbm>>)
    }
    %scan3A_46 = arith.constant 62 : i32
    %dma_wait3A_47 = arith.constant 124 : i32
    %dma_wait3A_48 = arith.constant 0 : i32
    %dma_wait3A_49 = tpu.memref_slice %arg10[%dma_wait3A_47, %dma_wait3A_48] : memref<125x80xi32, #tpu.memory_space<vmem>> -> memref<1x80xi32, #tpu.memory_space<vmem>>
    %dma_wait3A_50 = tpu.memref_squeeze %dma_wait3A_49 : memref<1x80xi32, #tpu.memory_space<vmem>> -> memref<80xi32, #tpu.memory_space<vmem>>
    %dma_wait3A_51 = arith.constant 0 : i32
    %dma_wait3A_52 = arith.constant 0 : i32
    %dma_wait3A_53 = tpu.memref_slice %arg2[%dma_wait3A_51, %dma_wait3A_52] : memref<10000x128xf32, #tpu.memory_space<hbm>> -> memref<10000x128xf32, #tpu.memory_space<hbm>>
    tpu.wait_indirect_dma semaphore(%arg15 : memref<!tpu.dma_semaphore, #tpu.memory_space<semaphore_mem>>) src(%dma_wait3A_53 : memref<10000x128xf32, #tpu.memory_space<hbm>>) dst(%arg11 : memref<80x128xf32, #tpu.memory_space<vmem>>)
    %add3A_54 = arith.constant 9920 : i32
    %add3A_55 = arith.addi %mul3A_2, %add3A_54 : i32
    %dma_start3A_56 = arith.constant 128 : i32
    %dma_start3A_57 = tpu.memref_slice %arg7[%add3A_55, %dma_start3A_56] : memref<320000x256xf32, #tpu.memory_space<hbm>> -> memref<80x128xf32, #tpu.memory_space<hbm>>
    %dma_start3A_58 = arith.constant 128 : i32
    %dma_start3A_59 = tpu.memref_slice %arg7[%add3A_55, %dma_start3A_58] : memref<320000x256xf32, #tpu.memory_space<hbm>> -> memref<80x128xf32, #tpu.memory_space<hbm>>
    tpu.enqueue_dma source(%arg11 : memref<80x128xf32, #tpu.memory_space<vmem>>) target(%dma_start3A_59 : memref<80x128xf32, #tpu.memory_space<hbm>>) target_semaphore(%arg17 : memref<!tpu.dma_semaphore, #tpu.memory_space<semaphore_mem>>)
    %add3A_60 = arith.constant 9920 : i32
    %add3A_61 = arith.addi %mul3A_2, %add3A_60 : i32
    %dma_wait3A_62 = arith.constant 128 : i32
    %dma_wait3A_63 = tpu.memref_slice %arg7[%add3A_61, %dma_wait3A_62] : memref<320000x256xf32, #tpu.memory_space<hbm>> -> memref<80x128xf32, #tpu.memory_space<hbm>>
    %dma_wait3A_64 = arith.constant 128 : i32
    %dma_wait3A_65 = tpu.memref_slice %arg7[%add3A_61, %dma_wait3A_64] : memref<320000x256xf32, #tpu.memory_space<hbm>> -> memref<80x128xf32, #tpu.memory_space<hbm>>
    tpu.wait_dma2 semaphore(%arg17 : memref<!tpu.dma_semaphore, #tpu.memory_space<semaphore_mem>>) src(%arg11 : memref<80x128xf32, #tpu.memory_space<vmem>>) dst(%dma_wait3A_65 : memref<80x128xf32, #tpu.memory_space<hbm>>)
    %scan3A_66 = arith.constant 0 : i32
    %scan3A_67 = arith.constant 0 : i32
    %scan3A_68 = arith.constant 25 : i32
    %scan3A_69 = arith.addi %scan3A_67, %scan3A_68 : i32
    %scan3A_70 = arith.constant 1 : i32
    scf.for %scan3A_87 = %scan3A_67 to %scan3A_69 step %scan3A_70  : i32 {
      %mul3A_88 = arith.constant 5 : i32
      %mul3A_89 = arith.muli %mul3A_88, %scan3A_87 : i32
      %add3A_90 = arith.constant 0 : i32
      %add3A_91 = arith.addi %mul3A_89, %add3A_90 : i32
      %dma_start3A_92 = arith.constant 0 : i32
      %dma_start3A_93 = tpu.memref_slice %arg10[%add3A_91, %dma_start3A_92] : memref<125x80xi32, #tpu.memory_space<vmem>> -> memref<1x80xi32, #tpu.memory_space<vmem>>
      %dma_start3A_94 = tpu.memref_squeeze %dma_start3A_93 : memref<1x80xi32, #tpu.memory_space<vmem>> -> memref<80xi32, #tpu.memory_space<vmem>>
      %dma_start3A_95 = arith.constant 0 : i32
      %dma_start3A_96 = arith.constant 0 : i32
      %dma_start3A_97 = tpu.memref_slice %arg14[%dma_start3A_95, %dma_start3A_96] : memref<10000x128xf32, #tpu.memory_space<vmem_shared>> -> memref<10000x128xf32, #tpu.memory_space<vmem_shared>>
      tpu.enqueue_indirect_dma source(%arg13 : memref<80x128xf32, #tpu.memory_space<vmem>>) target(%dma_start3A_97 : memref<10000x128xf32, #tpu.memory_space<vmem_shared>>) offsets(%dma_start3A_94 : memref<80xi32, #tpu.memory_space<vmem>>) semaphore(%arg19 : memref<!tpu.dma_semaphore, #tpu.memory_space<semaphore_mem>>) {add = true}
      %mul3A_98 = arith.constant 5 : i32
      %mul3A_99 = arith.muli %mul3A_98, %scan3A_87 : i32
      %add3A_100 = arith.constant 1 : i32
      %add3A_101 = arith.addi %mul3A_99, %add3A_100 : i32
      %dma_start3A_102 = arith.constant 0 : i32
      %dma_start3A_103 = tpu.memref_slice %arg10[%add3A_101, %dma_start3A_102] : memref<125x80xi32, #tpu.memory_space<vmem>> -> memref<1x80xi32, #tpu.memory_space<vmem>>
      %dma_start3A_104 = tpu.memref_squeeze %dma_start3A_103 : memref<1x80xi32, #tpu.memory_space<vmem>> -> memref<80xi32, #tpu.memory_space<vmem>>
      %dma_start3A_105 = arith.constant 0 : i32
      %dma_start3A_106 = arith.constant 0 : i32
      %dma_start3A_107 = tpu.memref_slice %arg14[%dma_start3A_105, %dma_start3A_106] : memref<10000x128xf32, #tpu.memory_space<vmem_shared>> -> memref<10000x128xf32, #tpu.memory_space<vmem_shared>>
      tpu.enqueue_indirect_dma source(%arg13 : memref<80x128xf32, #tpu.memory_space<vmem>>) target(%dma_start3A_107 : memref<10000x128xf32, #tpu.memory_space<vmem_shared>>) offsets(%dma_start3A_104 : memref<80xi32, #tpu.memory_space<vmem>>) semaphore(%arg19 : memref<!tpu.dma_semaphore, #tpu.memory_space<semaphore_mem>>) {add = true}
      %mul3A_108 = arith.constant 5 : i32
      %mul3A_109 = arith.muli %mul3A_108, %scan3A_87 : i32
      %add3A_110 = arith.constant 2 : i32
      %add3A_111 = arith.addi %mul3A_109, %add3A_110 : i32
      %dma_start3A_112 = arith.constant 0 : i32
      %dma_start3A_113 = tpu.memref_slice %arg10[%add3A_111, %dma_start3A_112] : memref<125x80xi32, #tpu.memory_space<vmem>> -> memref<1x80xi32, #tpu.memory_space<vmem>>
      %dma_start3A_114 = tpu.memref_squeeze %dma_start3A_113 : memref<1x80xi32, #tpu.memory_space<vmem>> -> memref<80xi32, #tpu.memory_space<vmem>>
      %dma_start3A_115 = arith.constant 0 : i32
      %dma_start3A_116 = arith.constant 0 : i32
      %dma_start3A_117 = tpu.memref_slice %arg14[%dma_start3A_115, %dma_start3A_116] : memref<10000x128xf32, #tpu.memory_space<vmem_shared>> -> memref<10000x128xf32, #tpu.memory_space<vmem_shared>>
      tpu.enqueue_indirect_dma source(%arg13 : memref<80x128xf32, #tpu.memory_space<vmem>>) target(%dma_start3A_117 : memref<10000x128xf32, #tpu.memory_space<vmem_shared>>) offsets(%dma_start3A_114 : memref<80xi32, #tpu.memory_space<vmem>>) semaphore(%arg19 : memref<!tpu.dma_semaphore, #tpu.memory_space<semaphore_mem>>) {add = true}
      %mul3A_118 = arith.constant 5 : i32
      %mul3A_119 = arith.muli %mul3A_118, %scan3A_87 : i32
      %add3A_120 = arith.constant 3 : i32
      %add3A_121 = arith.addi %mul3A_119, %add3A_120 : i32
      %dma_start3A_122 = arith.constant 0 : i32
      %dma_start3A_123 = tpu.memref_slice %arg10[%add3A_121, %dma_start3A_122] : memref<125x80xi32, #tpu.memory_space<vmem>> -> memref<1x80xi32, #tpu.memory_space<vmem>>
      %dma_start3A_124 = tpu.memref_squeeze %dma_start3A_123 : memref<1x80xi32, #tpu.memory_space<vmem>> -> memref<80xi32, #tpu.memory_space<vmem>>
      %dma_start3A_125 = arith.constant 0 : i32
      %dma_start3A_126 = arith.constant 0 : i32
      %dma_start3A_127 = tpu.memref_slice %arg14[%dma_start3A_125, %dma_start3A_126] : memref<10000x128xf32, #tpu.memory_space<vmem_shared>> -> memref<10000x128xf32, #tpu.memory_space<vmem_shared>>
      tpu.enqueue_indirect_dma source(%arg13 : memref<80x128xf32, #tpu.memory_space<vmem>>) target(%dma_start3A_127 : memref<10000x128xf32, #tpu.memory_space<vmem_shared>>) offsets(%dma_start3A_124 : memref<80xi32, #tpu.memory_space<vmem>>) semaphore(%arg19 : memref<!tpu.dma_semaphore, #tpu.memory_space<semaphore_mem>>) {add = true}
      %mul3A_128 = arith.constant 5 : i32
      %mul3A_129 = arith.muli %mul3A_128, %scan3A_87 : i32
      %add3A_130 = arith.constant 4 : i32
      %add3A_131 = arith.addi %mul3A_129, %add3A_130 : i32
      %dma_start3A_132 = arith.constant 0 : i32
      %dma_start3A_133 = tpu.memref_slice %arg10[%add3A_131, %dma_start3A_132] : memref<125x80xi32, #tpu.memory_space<vmem>> -> memref<1x80xi32, #tpu.memory_space<vmem>>
      %dma_start3A_134 = tpu.memref_squeeze %dma_start3A_133 : memref<1x80xi32, #tpu.memory_space<vmem>> -> memref<80xi32, #tpu.memory_space<vmem>>
      %dma_start3A_135 = arith.constant 0 : i32
      %dma_start3A_136 = arith.constant 0 : i32
      %dma_start3A_137 = tpu.memref_slice %arg14[%dma_start3A_135, %dma_start3A_136] : memref<10000x128xf32, #tpu.memory_space<vmem_shared>> -> memref<10000x128xf32, #tpu.memory_space<vmem_shared>>
      tpu.enqueue_indirect_dma source(%arg13 : memref<80x128xf32, #tpu.memory_space<vmem>>) target(%dma_start3A_137 : memref<10000x128xf32, #tpu.memory_space<vmem_shared>>) offsets(%dma_start3A_134 : memref<80xi32, #tpu.memory_space<vmem>>) semaphore(%arg19 : memref<!tpu.dma_semaphore, #tpu.memory_space<semaphore_mem>>) {add = true}
      %mul3A_138 = arith.constant 5 : i32
      %mul3A_139 = arith.muli %mul3A_138, %scan3A_87 : i32
      %add3A_140 = arith.constant 0 : i32
      %add3A_141 = arith.addi %mul3A_139, %add3A_140 : i32
      %dma_wait3A_142 = arith.constant 0 : i32
      %dma_wait3A_143 = tpu.memref_slice %arg10[%add3A_141, %dma_wait3A_142] : memref<125x80xi32, #tpu.memory_space<vmem>> -> memref<1x80xi32, #tpu.memory_space<vmem>>
      %dma_wait3A_144 = tpu.memref_squeeze %dma_wait3A_143 : memref<1x80xi32, #tpu.memory_space<vmem>> -> memref<80xi32, #tpu.memory_space<vmem>>
      %dma_wait3A_145 = arith.constant 0 : i32
      %dma_wait3A_146 = arith.constant 0 : i32
      %dma_wait3A_147 = tpu.memref_slice %arg14[%dma_wait3A_145, %dma_wait3A_146] : memref<10000x128xf32, #tpu.memory_space<vmem_shared>> -> memref<10000x128xf32, #tpu.memory_space<vmem_shared>>
      tpu.wait_indirect_dma semaphore(%arg19 : memref<!tpu.dma_semaphore, #tpu.memory_space<semaphore_mem>>) src(%arg13 : memref<80x128xf32, #tpu.memory_space<vmem>>) dst(%dma_wait3A_147 : memref<10000x128xf32, #tpu.memory_space<vmem_shared>>)
      %mul3A_148 = arith.constant 5 : i32
      %mul3A_149 = arith.muli %mul3A_148, %scan3A_87 : i32
      %add3A_150 = arith.constant 1 : i32
      %add3A_151 = arith.addi %mul3A_149, %add3A_150 : i32
      %dma_wait3A_152 = arith.constant 0 : i32
      %dma_wait3A_153 = tpu.memref_slice %arg10[%add3A_151, %dma_wait3A_152] : memref<125x80xi32, #tpu.memory_space<vmem>> -> memref<1x80xi32, #tpu.memory_space<vmem>>
      %dma_wait3A_154 = tpu.memref_squeeze %dma_wait3A_153 : memref<1x80xi32, #tpu.memory_space<vmem>> -> memref<80xi32, #tpu.memory_space<vmem>>
      %dma_wait3A_155 = arith.constant 0 : i32
      %dma_wait3A_156 = arith.constant 0 : i32
      %dma_wait3A_157 = tpu.memref_slice %arg14[%dma_wait3A_155, %dma_wait3A_156] : memref<10000x128xf32, #tpu.memory_space<vmem_shared>> -> memref<10000x128xf32, #tpu.memory_space<vmem_shared>>
      tpu.wait_indirect_dma semaphore(%arg19 : memref<!tpu.dma_semaphore, #tpu.memory_space<semaphore_mem>>) src(%arg13 : memref<80x128xf32, #tpu.memory_space<vmem>>) dst(%dma_wait3A_157 : memref<10000x128xf32, #tpu.memory_space<vmem_shared>>)
      %mul3A_158 = arith.constant 5 : i32
      %mul3A_159 = arith.muli %mul3A_158, %scan3A_87 : i32
      %add3A_160 = arith.constant 2 : i32
      %add3A_161 = arith.addi %mul3A_159, %add3A_160 : i32
      %dma_wait3A_162 = arith.constant 0 : i32
      %dma_wait3A_163 = tpu.memref_slice %arg10[%add3A_161, %dma_wait3A_162] : memref<125x80xi32, #tpu.memory_space<vmem>> -> memref<1x80xi32, #tpu.memory_space<vmem>>
      %dma_wait3A_164 = tpu.memref_squeeze %dma_wait3A_163 : memref<1x80xi32, #tpu.memory_space<vmem>> -> memref<80xi32, #tpu.memory_space<vmem>>
      %dma_wait3A_165 = arith.constant 0 : i32
      %dma_wait3A_166 = arith.constant 0 : i32
      %dma_wait3A_167 = tpu.memref_slice %arg14[%dma_wait3A_165, %dma_wait3A_166] : memref<10000x128xf32, #tpu.memory_space<vmem_shared>> -> memref<10000x128xf32, #tpu.memory_space<vmem_shared>>
      tpu.wait_indirect_dma semaphore(%arg19 : memref<!tpu.dma_semaphore, #tpu.memory_space<semaphore_mem>>) src(%arg13 : memref<80x128xf32, #tpu.memory_space<vmem>>) dst(%dma_wait3A_167 : memref<10000x128xf32, #tpu.memory_space<vmem_shared>>)
      %mul3A_168 = arith.constant 5 : i32
      %mul3A_169 = arith.muli %mul3A_168, %scan3A_87 : i32
      %add3A_170 = arith.constant 3 : i32
      %add3A_171 = arith.addi %mul3A_169, %add3A_170 : i32
      %dma_wait3A_172 = arith.constant 0 : i32
      %dma_wait3A_173 = tpu.memref_slice %arg10[%add3A_171, %dma_wait3A_172] : memref<125x80xi32, #tpu.memory_space<vmem>> -> memref<1x80xi32, #tpu.memory_space<vmem>>
      %dma_wait3A_174 = tpu.memref_squeeze %dma_wait3A_173 : memref<1x80xi32, #tpu.memory_space<vmem>> -> memref<80xi32, #tpu.memory_space<vmem>>
      %dma_wait3A_175 = arith.constant 0 : i32
      %dma_wait3A_176 = arith.constant 0 : i32
      %dma_wait3A_177 = tpu.memref_slice %arg14[%dma_wait3A_175, %dma_wait3A_176] : memref<10000x128xf32, #tpu.memory_space<vmem_shared>> -> memref<10000x128xf32, #tpu.memory_space<vmem_shared>>
      tpu.wait_indirect_dma semaphore(%arg19 : memref<!tpu.dma_semaphore, #tpu.memory_space<semaphore_mem>>) src(%arg13 : memref<80x128xf32, #tpu.memory_space<vmem>>) dst(%dma_wait3A_177 : memref<10000x128xf32, #tpu.memory_space<vmem_shared>>)
      %mul3A_178 = arith.constant 5 : i32
      %mul3A_179 = arith.muli %mul3A_178, %scan3A_87 : i32
      %add3A_180 = arith.constant 4 : i32
      %add3A_181 = arith.addi %mul3A_179, %add3A_180 : i32
      %dma_wait3A_182 = arith.constant 0 : i32
      %dma_wait3A_183 = tpu.memref_slice %arg10[%add3A_181, %dma_wait3A_182] : memref<125x80xi32, #tpu.memory_space<vmem>> -> memref<1x80xi32, #tpu.memory_space<vmem>>
      %dma_wait3A_184 = tpu.memref_squeeze %dma_wait3A_183 : memref<1x80xi32, #tpu.memory_space<vmem>> -> memref<80xi32, #tpu.memory_space<vmem>>
      %dma_wait3A_185 = arith.constant 0 : i32
      %dma_wait3A_186 = arith.constant 0 : i32
      %dma_wait3A_187 = tpu.memref_slice %arg14[%dma_wait3A_185, %dma_wait3A_186] : memref<10000x128xf32, #tpu.memory_space<vmem_shared>> -> memref<10000x128xf32, #tpu.memory_space<vmem_shared>>
      tpu.wait_indirect_dma semaphore(%arg19 : memref<!tpu.dma_semaphore, #tpu.memory_space<semaphore_mem>>) src(%arg13 : memref<80x128xf32, #tpu.memory_space<vmem>>) dst(%dma_wait3A_187 : memref<10000x128xf32, #tpu.memory_space<vmem_shared>>)
    }
    %scan3A_71 = arith.constant 25 : i32
    %barrier3A_72 = arith.constant 0 : index
    tpu.barrier barrier_id(%barrier3A_72)
    %lt3A_73 = arith.constant 10 : i32
    %lt3A_74 = arith.cmpi slt, %arg1, %lt3A_73 : i32
    %eq3A = arith.constant 0 : i32
    %eq3A_75 = arith.cmpi eq, %arg0, %eq3A : i32
    %and3A = arith.andi %lt3A_74, %eq3A_75 : i1
    %convert_element_type3A_76 = arith.extui %and3A : i1 to i32
    %cond3A_77 = arith.constant 0 : i32
    %cond3A_78 = arith.cmpi ne, %convert_element_type3A_76, %cond3A_77 : i32
    scf.if %cond3A_78 {
      %mul3A_87 = arith.constant 1000 : i32
      %mul3A_88 = arith.muli %arg1, %mul3A_87 : i32
      "tpu.region"() ({
        %run_scoped3A = tpu.sem_alloc : memref<!tpu.dma_semaphore, #tpu.memory_space<semaphore_mem>>
        %dma_start3A_89 = arith.constant 0 : i32
        %dma_start3A_90 = tpu.memref_slice %arg8[%mul3A_88, %dma_start3A_89] : memref<10000x128xf32, #tpu.memory_space<hbm>> -> memref<1000x128xf32, #tpu.memory_space<hbm>>
        %dma_start3A_91 = arith.constant 0 : i32
        %dma_start3A_92 = tpu.memref_slice %arg14[%mul3A_88, %dma_start3A_91] : memref<10000x128xf32, #tpu.memory_space<vmem_shared>> -> memref<1000x128xf32, #tpu.memory_space<vmem_shared>>
        tpu.enqueue_dma source(%dma_start3A_92 : memref<1000x128xf32, #tpu.memory_space<vmem_shared>>) target(%dma_start3A_90 : memref<1000x128xf32, #tpu.memory_space<hbm>>) target_semaphore(%run_scoped3A : memref<!tpu.dma_semaphore, #tpu.memory_space<semaphore_mem>>)
        %dma_wait3A_93 = arith.constant 0 : i32
        %dma_wait3A_94 = tpu.memref_slice %arg8[%mul3A_88, %dma_wait3A_93] : memref<10000x128xf32, #tpu.memory_space<hbm>> -> memref<1000x128xf32, #tpu.memory_space<hbm>>
        %dma_wait3A_95 = arith.constant 0 : i32
        %dma_wait3A_96 = tpu.memref_slice %arg14[%mul3A_88, %dma_wait3A_95] : memref<10000x128xf32, #tpu.memory_space<vmem_shared>> -> memref<1000x128xf32, #tpu.memory_space<vmem_shared>>
        tpu.wait_dma2 semaphore(%run_scoped3A : memref<!tpu.dma_semaphore, #tpu.memory_space<semaphore_mem>>) src(%dma_wait3A_96 : memref<1000x128xf32, #tpu.memory_space<vmem_shared>>) dst(%dma_wait3A_94 : memref<1000x128xf32, #tpu.memory_space<hbm>>)
        tpu.yield
      }) : () -> ()
    } else {
    }
    %lt3A_79 = arith.constant 10 : i32
    %lt3A_80 = arith.cmpi slt, %arg1, %lt3A_79 : i32
    %eq3A_81 = arith.constant 1 : i32
    %eq3A_82 = arith.cmpi eq, %arg0, %eq3A_81 : i32
    %and3A_83 = arith.andi %lt3A_80, %eq3A_82 : i1
    %convert_element_type3A_84 = arith.extui %and3A_83 : i1 to i32
    %cond3A_85 = arith.constant 0 : i32
    %cond3A_86 = arith.cmpi ne, %convert_element_type3A_84, %cond3A_85 : i32
    scf.if %cond3A_86 {
      %mul3A_87 = arith.constant 1000 : i32
      %mul3A_88 = arith.muli %arg1, %mul3A_87 : i32
      "tpu.region"() ({
        %run_scoped3A = tpu.sem_alloc : memref<!tpu.dma_semaphore, #tpu.memory_space<semaphore_mem>>
        %dma_start3A_89 = arith.constant 0 : i32
        %dma_start3A_90 = tpu.memref_slice %arg9[%mul3A_88, %dma_start3A_89] : memref<10000x128xf32, #tpu.memory_space<hbm>> -> memref<1000x128xf32, #tpu.memory_space<hbm>>
        %dma_start3A_91 = arith.constant 0 : i32
        %dma_start3A_92 = tpu.memref_slice %arg14[%mul3A_88, %dma_start3A_91] : memref<10000x128xf32, #tpu.memory_space<vmem_shared>> -> memref<1000x128xf32, #tpu.memory_space<vmem_shared>>
        tpu.enqueue_dma source(%dma_start3A_92 : memref<1000x128xf32, #tpu.memory_space<vmem_shared>>) target(%dma_start3A_90 : memref<1000x128xf32, #tpu.memory_space<hbm>>) target_semaphore(%run_scoped3A : memref<!tpu.dma_semaphore, #tpu.memory_space<semaphore_mem>>)
        %dma_wait3A_93 = arith.constant 0 : i32
        %dma_wait3A_94 = tpu.memref_slice %arg9[%mul3A_88, %dma_wait3A_93] : memref<10000x128xf32, #tpu.memory_space<hbm>> -> memref<1000x128xf32, #tpu.memory_space<hbm>>
        %dma_wait3A_95 = arith.constant 0 : i32
        %dma_wait3A_96 = tpu.memref_slice %arg14[%mul3A_88, %dma_wait3A_95] : memref<10000x128xf32, #tpu.memory_space<vmem_shared>> -> memref<1000x128xf32, #tpu.memory_space<vmem_shared>>
        tpu.wait_dma2 semaphore(%run_scoped3A : memref<!tpu.dma_semaphore, #tpu.memory_space<semaphore_mem>>) src(%dma_wait3A_96 : memref<1000x128xf32, #tpu.memory_space<vmem_shared>>) dst(%dma_wait3A_94 : memref<1000x128xf32, #tpu.memory_space<hbm>>)
        tpu.yield
      }) : () -> ()
    } else {
    }
    return
  }
}

#map = affine_map<(d0, d1) -> (0, 0)>
#map1 = affine_map<(d0, d1) -> (0, 0, 0)>
module attributes {stable_mosaic.version = 14 : i64} {
  func.func @_scatter_body(%arg0: i32, %arg1: i32, %arg2: memref<320000x128xf32, #tpu.memory_space<hbm>>, %arg3: memref<320000x128xf32, #tpu.memory_space<hbm>>, %arg4: memref<16x250x80xi32, #tpu.memory_space<hbm>>, %arg5: memref<10000x128xf32, #tpu.memory_space<hbm>>, %arg6: memref<10000x128xf32, #tpu.memory_space<hbm>>, %arg7: memref<10000x128xf32, #tpu.memory_space<hbm>>, %arg8: memref<250x80xi32, #tpu.memory_space<vmem>>, %arg9: memref<80x128xf32, #tpu.memory_space<vmem>>, %arg10: memref<10000x128xf32, #tpu.memory_space<vmem_shared>>) attributes {dimension_semantics = [#tpu.dimension_semantics<core_parallel>, #tpu.dimension_semantics<subcore_parallel>], iteration_bounds = array<i64: 2, 16>, scalar_prefetch = 0 : i64, scratch_operands = 3 : i64, tpu.core_type = #tpu.core_type<sc_vector_subcore>, window_params = [{transform_indices = #map}, {transform_indices = #map}, {transform_indices = #map1}, {transform_indices = #map}, {transform_indices = #map}, {transform_indices = #map}]} {
    %lt3A = arith.constant 10 : i32
    %lt3A_0 = arith.cmpi slt, %arg1, %lt3A : i32
    %convert_element_type3A = arith.extui %lt3A_0 : i1 to i32
    %cond3A = arith.constant 0 : i32
    %cond3A_1 = arith.cmpi ne, %convert_element_type3A, %cond3A : i32
    scf.if %cond3A_1 {
      %mul3A_28 = arith.constant 1000 : i32
      %mul3A_29 = arith.muli %arg1, %mul3A_28 : i32
      "tpu.region"() ({
        %run_scoped3A = tpu.sem_alloc : memref<!tpu.dma_semaphore, #tpu.memory_space<semaphore_mem>>
        %dma_start3A = arith.constant 0 : i32
        %dma_start3A_30 = tpu.memref_slice %arg10[%mul3A_29, %dma_start3A] : memref<10000x128xf32, #tpu.memory_space<vmem_shared>> -> memref<1000x128xf32, #tpu.memory_space<vmem_shared>>
        %dma_start3A_31 = arith.constant 0 : i32
        %dma_start3A_32 = tpu.memref_slice %arg5[%mul3A_29, %dma_start3A_31] : memref<10000x128xf32, #tpu.memory_space<hbm>> -> memref<1000x128xf32, #tpu.memory_space<hbm>>
        tpu.enqueue_dma source(%dma_start3A_32 : memref<1000x128xf32, #tpu.memory_space<hbm>>) target(%dma_start3A_30 : memref<1000x128xf32, #tpu.memory_space<vmem_shared>>) target_semaphore(%run_scoped3A : memref<!tpu.dma_semaphore, #tpu.memory_space<semaphore_mem>>)
        %dma_wait3A = arith.constant 0 : i32
        %dma_wait3A_33 = tpu.memref_slice %arg10[%mul3A_29, %dma_wait3A] : memref<10000x128xf32, #tpu.memory_space<vmem_shared>> -> memref<1000x128xf32, #tpu.memory_space<vmem_shared>>
        %dma_wait3A_34 = arith.constant 0 : i32
        %dma_wait3A_35 = tpu.memref_slice %arg5[%mul3A_29, %dma_wait3A_34] : memref<10000x128xf32, #tpu.memory_space<hbm>> -> memref<1000x128xf32, #tpu.memory_space<hbm>>
        tpu.wait_dma2 semaphore(%run_scoped3A : memref<!tpu.dma_semaphore, #tpu.memory_space<semaphore_mem>>) src(%dma_wait3A_35 : memref<1000x128xf32, #tpu.memory_space<hbm>>) dst(%dma_wait3A_33 : memref<1000x128xf32, #tpu.memory_space<vmem_shared>>)
        tpu.yield
      }) : () -> ()
    } else {
    }
    %mul3A = arith.constant 20000 : i32
    %mul3A_2 = arith.muli %arg1, %mul3A : i32
    "tpu.region"() ({
      %run_scoped3A = tpu.sem_alloc : memref<!tpu.dma_semaphore, #tpu.memory_space<semaphore_mem>>
      %dma_start3A = arith.constant 0 : i32
      %dma_start3A_28 = arith.constant 0 : i32
      %dma_start3A_29 = tpu.memref_slice %arg4[%arg1, %dma_start3A, %dma_start3A_28] : memref<16x250x80xi32, #tpu.memory_space<hbm>> -> memref<1x250x80xi32, #tpu.memory_space<hbm>>
      %dma_start3A_30 = tpu.memref_squeeze %dma_start3A_29 : memref<1x250x80xi32, #tpu.memory_space<hbm>> -> memref<250x80xi32, #tpu.memory_space<hbm>>
      %dma_start3A_31 = arith.constant 0 : i32
      %dma_start3A_32 = arith.constant 0 : i32
      %dma_start3A_33 = tpu.memref_slice %arg4[%arg1, %dma_start3A_31, %dma_start3A_32] : memref<16x250x80xi32, #tpu.memory_space<hbm>> -> memref<1x250x80xi32, #tpu.memory_space<hbm>>
      %dma_start3A_34 = tpu.memref_squeeze %dma_start3A_33 : memref<1x250x80xi32, #tpu.memory_space<hbm>> -> memref<250x80xi32, #tpu.memory_space<hbm>>
      tpu.enqueue_dma source(%dma_start3A_34 : memref<250x80xi32, #tpu.memory_space<hbm>>) target(%arg8 : memref<250x80xi32, #tpu.memory_space<vmem>>) target_semaphore(%run_scoped3A : memref<!tpu.dma_semaphore, #tpu.memory_space<semaphore_mem>>)
      %dma_wait3A = arith.constant 0 : i32
      %dma_wait3A_35 = arith.constant 0 : i32
      %dma_wait3A_36 = tpu.memref_slice %arg4[%arg1, %dma_wait3A, %dma_wait3A_35] : memref<16x250x80xi32, #tpu.memory_space<hbm>> -> memref<1x250x80xi32, #tpu.memory_space<hbm>>
      %dma_wait3A_37 = tpu.memref_squeeze %dma_wait3A_36 : memref<1x250x80xi32, #tpu.memory_space<hbm>> -> memref<250x80xi32, #tpu.memory_space<hbm>>
      %dma_wait3A_38 = arith.constant 0 : i32
      %dma_wait3A_39 = arith.constant 0 : i32
      %dma_wait3A_40 = tpu.memref_slice %arg4[%arg1, %dma_wait3A_38, %dma_wait3A_39] : memref<16x250x80xi32, #tpu.memory_space<hbm>> -> memref<1x250x80xi32, #tpu.memory_space<hbm>>
      %dma_wait3A_41 = tpu.memref_squeeze %dma_wait3A_40 : memref<1x250x80xi32, #tpu.memory_space<hbm>> -> memref<250x80xi32, #tpu.memory_space<hbm>>
      tpu.wait_dma2 semaphore(%run_scoped3A : memref<!tpu.dma_semaphore, #tpu.memory_space<semaphore_mem>>) src(%dma_wait3A_41 : memref<250x80xi32, #tpu.memory_space<hbm>>) dst(%arg8 : memref<250x80xi32, #tpu.memory_space<vmem>>)
      tpu.yield
    }) : () -> ()
    %barrier3A = arith.constant 0 : index
    tpu.barrier barrier_id(%barrier3A)
    %eq3A = arith.constant 0 : i32
    %eq3A_3 = arith.cmpi eq, %arg0, %eq3A : i32
    %convert_element_type3A_4 = arith.extui %eq3A_3 : i1 to i32
    %cond3A_5 = arith.constant 0 : i32
    %cond3A_6 = arith.cmpi ne, %convert_element_type3A_4, %cond3A_5 : i32
    scf.if %cond3A_6 {
      %scan3A = arith.constant 0 : i32
      %scan3A_28 = arith.constant 0 : i32
      %scan3A_29 = arith.constant 250 : i32
      %scan3A_30 = arith.addi %scan3A_28, %scan3A_29 : i32
      %scan3A_31 = arith.constant 1 : i32
      scf.for %scan3A_33 = %scan3A_28 to %scan3A_30 step %scan3A_31  : i32 {
        %mul3A_34 = arith.constant 80 : i32
        %mul3A_35 = arith.muli %scan3A_33, %mul3A_34 : i32
        %add3A = arith.addi %mul3A_2, %mul3A_35 : i32
        "tpu.region"() ({
          %run_scoped3A = tpu.sem_alloc : memref<!tpu.dma_semaphore, #tpu.memory_space<semaphore_mem>>
          %dma_start3A = arith.constant 0 : i32
          %dma_start3A_36 = tpu.memref_slice %arg2[%add3A, %dma_start3A] : memref<320000x128xf32, #tpu.memory_space<hbm>> -> memref<80x128xf32, #tpu.memory_space<hbm>>
          %dma_start3A_37 = arith.constant 0 : i32
          %dma_start3A_38 = tpu.memref_slice %arg2[%add3A, %dma_start3A_37] : memref<320000x128xf32, #tpu.memory_space<hbm>> -> memref<80x128xf32, #tpu.memory_space<hbm>>
          tpu.enqueue_dma source(%dma_start3A_38 : memref<80x128xf32, #tpu.memory_space<hbm>>) target(%arg9 : memref<80x128xf32, #tpu.memory_space<vmem>>) target_semaphore(%run_scoped3A : memref<!tpu.dma_semaphore, #tpu.memory_space<semaphore_mem>>)
          %dma_wait3A = arith.constant 0 : i32
          %dma_wait3A_39 = tpu.memref_slice %arg2[%add3A, %dma_wait3A] : memref<320000x128xf32, #tpu.memory_space<hbm>> -> memref<80x128xf32, #tpu.memory_space<hbm>>
          %dma_wait3A_40 = arith.constant 0 : i32
          %dma_wait3A_41 = tpu.memref_slice %arg2[%add3A, %dma_wait3A_40] : memref<320000x128xf32, #tpu.memory_space<hbm>> -> memref<80x128xf32, #tpu.memory_space<hbm>>
          tpu.wait_dma2 semaphore(%run_scoped3A : memref<!tpu.dma_semaphore, #tpu.memory_space<semaphore_mem>>) src(%dma_wait3A_41 : memref<80x128xf32, #tpu.memory_space<hbm>>) dst(%arg9 : memref<80x128xf32, #tpu.memory_space<vmem>>)
          tpu.yield
        }) : () -> ()
        "tpu.region"() ({
          %run_scoped3A = tpu.sem_alloc : memref<!tpu.dma_semaphore, #tpu.memory_space<semaphore_mem>>
          %dma_start3A = arith.constant 0 : i32
          %dma_start3A_36 = tpu.memref_slice %arg8[%scan3A_33, %dma_start3A] : memref<250x80xi32, #tpu.memory_space<vmem>> -> memref<1x80xi32, #tpu.memory_space<vmem>>
          %dma_start3A_37 = tpu.memref_squeeze %dma_start3A_36 : memref<1x80xi32, #tpu.memory_space<vmem>> -> memref<80xi32, #tpu.memory_space<vmem>>
          %dma_start3A_38 = arith.constant 0 : i32
          %dma_start3A_39 = arith.constant 0 : i32
          %dma_start3A_40 = tpu.memref_slice %arg10[%dma_start3A_38, %dma_start3A_39] : memref<10000x128xf32, #tpu.memory_space<vmem_shared>> -> memref<10000x128xf32, #tpu.memory_space<vmem_shared>>
          tpu.enqueue_indirect_dma source(%arg9 : memref<80x128xf32, #tpu.memory_space<vmem>>) target(%dma_start3A_40 : memref<10000x128xf32, #tpu.memory_space<vmem_shared>>) offsets(%dma_start3A_37 : memref<80xi32, #tpu.memory_space<vmem>>) semaphore(%run_scoped3A : memref<!tpu.dma_semaphore, #tpu.memory_space<semaphore_mem>>) {add = true}
          %dma_wait3A = arith.constant 0 : i32
          %dma_wait3A_41 = tpu.memref_slice %arg8[%scan3A_33, %dma_wait3A] : memref<250x80xi32, #tpu.memory_space<vmem>> -> memref<1x80xi32, #tpu.memory_space<vmem>>
          %dma_wait3A_42 = tpu.memref_squeeze %dma_wait3A_41 : memref<1x80xi32, #tpu.memory_space<vmem>> -> memref<80xi32, #tpu.memory_space<vmem>>
          %dma_wait3A_43 = arith.constant 0 : i32
          %dma_wait3A_44 = arith.constant 0 : i32
          %dma_wait3A_45 = tpu.memref_slice %arg10[%dma_wait3A_43, %dma_wait3A_44] : memref<10000x128xf32, #tpu.memory_space<vmem_shared>> -> memref<10000x128xf32, #tpu.memory_space<vmem_shared>>
          tpu.wait_indirect_dma semaphore(%run_scoped3A : memref<!tpu.dma_semaphore, #tpu.memory_space<semaphore_mem>>) src(%arg9 : memref<80x128xf32, #tpu.memory_space<vmem>>) dst(%dma_wait3A_45 : memref<10000x128xf32, #tpu.memory_space<vmem_shared>>)
          tpu.yield
        }) : () -> ()
      }
      %scan3A_32 = arith.constant 250 : i32
    } else {
    }
    %eq3A_7 = arith.constant 1 : i32
    %eq3A_8 = arith.cmpi eq, %arg0, %eq3A_7 : i32
    %convert_element_type3A_9 = arith.extui %eq3A_8 : i1 to i32
    %cond3A_10 = arith.constant 0 : i32
    %cond3A_11 = arith.cmpi ne, %convert_element_type3A_9, %cond3A_10 : i32
    scf.if %cond3A_11 {
      %scan3A = arith.constant 0 : i32
      %scan3A_28 = arith.constant 0 : i32
      %scan3A_29 = arith.constant 250 : i32
      %scan3A_30 = arith.addi %scan3A_28, %scan3A_29 : i32
      %scan3A_31 = arith.constant 1 : i32
      scf.for %scan3A_33 = %scan3A_28 to %scan3A_30 step %scan3A_31  : i32 {
        %mul3A_34 = arith.constant 80 : i32
        %mul3A_35 = arith.muli %scan3A_33, %mul3A_34 : i32
        %add3A = arith.addi %mul3A_2, %mul3A_35 : i32
        "tpu.region"() ({
          %run_scoped3A = tpu.sem_alloc : memref<!tpu.dma_semaphore, #tpu.memory_space<semaphore_mem>>
          %dma_start3A = arith.constant 0 : i32
          %dma_start3A_36 = tpu.memref_slice %arg3[%add3A, %dma_start3A] : memref<320000x128xf32, #tpu.memory_space<hbm>> -> memref<80x128xf32, #tpu.memory_space<hbm>>
          %dma_start3A_37 = arith.constant 0 : i32
          %dma_start3A_38 = tpu.memref_slice %arg3[%add3A, %dma_start3A_37] : memref<320000x128xf32, #tpu.memory_space<hbm>> -> memref<80x128xf32, #tpu.memory_space<hbm>>
          tpu.enqueue_dma source(%dma_start3A_38 : memref<80x128xf32, #tpu.memory_space<hbm>>) target(%arg9 : memref<80x128xf32, #tpu.memory_space<vmem>>) target_semaphore(%run_scoped3A : memref<!tpu.dma_semaphore, #tpu.memory_space<semaphore_mem>>)
          %dma_wait3A = arith.constant 0 : i32
          %dma_wait3A_39 = tpu.memref_slice %arg3[%add3A, %dma_wait3A] : memref<320000x128xf32, #tpu.memory_space<hbm>> -> memref<80x128xf32, #tpu.memory_space<hbm>>
          %dma_wait3A_40 = arith.constant 0 : i32
          %dma_wait3A_41 = tpu.memref_slice %arg3[%add3A, %dma_wait3A_40] : memref<320000x128xf32, #tpu.memory_space<hbm>> -> memref<80x128xf32, #tpu.memory_space<hbm>>
          tpu.wait_dma2 semaphore(%run_scoped3A : memref<!tpu.dma_semaphore, #tpu.memory_space<semaphore_mem>>) src(%dma_wait3A_41 : memref<80x128xf32, #tpu.memory_space<hbm>>) dst(%arg9 : memref<80x128xf32, #tpu.memory_space<vmem>>)
          tpu.yield
        }) : () -> ()
        "tpu.region"() ({
          %run_scoped3A = tpu.sem_alloc : memref<!tpu.dma_semaphore, #tpu.memory_space<semaphore_mem>>
          %dma_start3A = arith.constant 0 : i32
          %dma_start3A_36 = tpu.memref_slice %arg8[%scan3A_33, %dma_start3A] : memref<250x80xi32, #tpu.memory_space<vmem>> -> memref<1x80xi32, #tpu.memory_space<vmem>>
          %dma_start3A_37 = tpu.memref_squeeze %dma_start3A_36 : memref<1x80xi32, #tpu.memory_space<vmem>> -> memref<80xi32, #tpu.memory_space<vmem>>
          %dma_start3A_38 = arith.constant 0 : i32
          %dma_start3A_39 = arith.constant 0 : i32
          %dma_start3A_40 = tpu.memref_slice %arg10[%dma_start3A_38, %dma_start3A_39] : memref<10000x128xf32, #tpu.memory_space<vmem_shared>> -> memref<10000x128xf32, #tpu.memory_space<vmem_shared>>
          tpu.enqueue_indirect_dma source(%arg9 : memref<80x128xf32, #tpu.memory_space<vmem>>) target(%dma_start3A_40 : memref<10000x128xf32, #tpu.memory_space<vmem_shared>>) offsets(%dma_start3A_37 : memref<80xi32, #tpu.memory_space<vmem>>) semaphore(%run_scoped3A : memref<!tpu.dma_semaphore, #tpu.memory_space<semaphore_mem>>) {add = true}
          %dma_wait3A = arith.constant 0 : i32
          %dma_wait3A_41 = tpu.memref_slice %arg8[%scan3A_33, %dma_wait3A] : memref<250x80xi32, #tpu.memory_space<vmem>> -> memref<1x80xi32, #tpu.memory_space<vmem>>
          %dma_wait3A_42 = tpu.memref_squeeze %dma_wait3A_41 : memref<1x80xi32, #tpu.memory_space<vmem>> -> memref<80xi32, #tpu.memory_space<vmem>>
          %dma_wait3A_43 = arith.constant 0 : i32
          %dma_wait3A_44 = arith.constant 0 : i32
          %dma_wait3A_45 = tpu.memref_slice %arg10[%dma_wait3A_43, %dma_wait3A_44] : memref<10000x128xf32, #tpu.memory_space<vmem_shared>> -> memref<10000x128xf32, #tpu.memory_space<vmem_shared>>
          tpu.wait_indirect_dma semaphore(%run_scoped3A : memref<!tpu.dma_semaphore, #tpu.memory_space<semaphore_mem>>) src(%arg9 : memref<80x128xf32, #tpu.memory_space<vmem>>) dst(%dma_wait3A_45 : memref<10000x128xf32, #tpu.memory_space<vmem_shared>>)
          tpu.yield
        }) : () -> ()
      }
      %scan3A_32 = arith.constant 250 : i32
    } else {
    }
    %barrier3A_12 = arith.constant 0 : index
    tpu.barrier barrier_id(%barrier3A_12)
    %lt3A_13 = arith.constant 10 : i32
    %lt3A_14 = arith.cmpi slt, %arg1, %lt3A_13 : i32
    %eq3A_15 = arith.constant 0 : i32
    %eq3A_16 = arith.cmpi eq, %arg0, %eq3A_15 : i32
    %and3A = arith.andi %lt3A_14, %eq3A_16 : i1
    %convert_element_type3A_17 = arith.extui %and3A : i1 to i32
    %cond3A_18 = arith.constant 0 : i32
    %cond3A_19 = arith.cmpi ne, %convert_element_type3A_17, %cond3A_18 : i32
    scf.if %cond3A_19 {
      %mul3A_28 = arith.constant 1000 : i32
      %mul3A_29 = arith.muli %arg1, %mul3A_28 : i32
      "tpu.region"() ({
        %run_scoped3A = tpu.sem_alloc : memref<!tpu.dma_semaphore, #tpu.memory_space<semaphore_mem>>
        %dma_start3A = arith.constant 0 : i32
        %dma_start3A_30 = tpu.memref_slice %arg6[%mul3A_29, %dma_start3A] : memref<10000x128xf32, #tpu.memory_space<hbm>> -> memref<1000x128xf32, #tpu.memory_space<hbm>>
        %dma_start3A_31 = arith.constant 0 : i32
        %dma_start3A_32 = tpu.memref_slice %arg10[%mul3A_29, %dma_start3A_31] : memref<10000x128xf32, #tpu.memory_space<vmem_shared>> -> memref<1000x128xf32, #tpu.memory_space<vmem_shared>>
        tpu.enqueue_dma source(%dma_start3A_32 : memref<1000x128xf32, #tpu.memory_space<vmem_shared>>) target(%dma_start3A_30 : memref<1000x128xf32, #tpu.memory_space<hbm>>) target_semaphore(%run_scoped3A : memref<!tpu.dma_semaphore, #tpu.memory_space<semaphore_mem>>)
        %dma_wait3A = arith.constant 0 : i32
        %dma_wait3A_33 = tpu.memref_slice %arg6[%mul3A_29, %dma_wait3A] : memref<10000x128xf32, #tpu.memory_space<hbm>> -> memref<1000x128xf32, #tpu.memory_space<hbm>>
        %dma_wait3A_34 = arith.constant 0 : i32
        %dma_wait3A_35 = tpu.memref_slice %arg10[%mul3A_29, %dma_wait3A_34] : memref<10000x128xf32, #tpu.memory_space<vmem_shared>> -> memref<1000x128xf32, #tpu.memory_space<vmem_shared>>
        tpu.wait_dma2 semaphore(%run_scoped3A : memref<!tpu.dma_semaphore, #tpu.memory_space<semaphore_mem>>) src(%dma_wait3A_35 : memref<1000x128xf32, #tpu.memory_space<vmem_shared>>) dst(%dma_wait3A_33 : memref<1000x128xf32, #tpu.memory_space<hbm>>)
        tpu.yield
      }) : () -> ()
    } else {
    }
    %lt3A_20 = arith.constant 10 : i32
    %lt3A_21 = arith.cmpi slt, %arg1, %lt3A_20 : i32
    %eq3A_22 = arith.constant 1 : i32
    %eq3A_23 = arith.cmpi eq, %arg0, %eq3A_22 : i32
    %and3A_24 = arith.andi %lt3A_21, %eq3A_23 : i1
    %convert_element_type3A_25 = arith.extui %and3A_24 : i1 to i32
    %cond3A_26 = arith.constant 0 : i32
    %cond3A_27 = arith.cmpi ne, %convert_element_type3A_25, %cond3A_26 : i32
    scf.if %cond3A_27 {
      %mul3A_28 = arith.constant 1000 : i32
      %mul3A_29 = arith.muli %arg1, %mul3A_28 : i32
      "tpu.region"() ({
        %run_scoped3A = tpu.sem_alloc : memref<!tpu.dma_semaphore, #tpu.memory_space<semaphore_mem>>
        %dma_start3A = arith.constant 0 : i32
        %dma_start3A_30 = tpu.memref_slice %arg7[%mul3A_29, %dma_start3A] : memref<10000x128xf32, #tpu.memory_space<hbm>> -> memref<1000x128xf32, #tpu.memory_space<hbm>>
        %dma_start3A_31 = arith.constant 0 : i32
        %dma_start3A_32 = tpu.memref_slice %arg10[%mul3A_29, %dma_start3A_31] : memref<10000x128xf32, #tpu.memory_space<vmem_shared>> -> memref<1000x128xf32, #tpu.memory_space<vmem_shared>>
        tpu.enqueue_dma source(%dma_start3A_32 : memref<1000x128xf32, #tpu.memory_space<vmem_shared>>) target(%dma_start3A_30 : memref<1000x128xf32, #tpu.memory_space<hbm>>) target_semaphore(%run_scoped3A : memref<!tpu.dma_semaphore, #tpu.memory_space<semaphore_mem>>)
        %dma_wait3A = arith.constant 0 : i32
        %dma_wait3A_33 = tpu.memref_slice %arg7[%mul3A_29, %dma_wait3A] : memref<10000x128xf32, #tpu.memory_space<hbm>> -> memref<1000x128xf32, #tpu.memory_space<hbm>>
        %dma_wait3A_34 = arith.constant 0 : i32
        %dma_wait3A_35 = tpu.memref_slice %arg10[%mul3A_29, %dma_wait3A_34] : memref<10000x128xf32, #tpu.memory_space<vmem_shared>> -> memref<1000x128xf32, #tpu.memory_space<vmem_shared>>
        tpu.wait_dma2 semaphore(%run_scoped3A : memref<!tpu.dma_semaphore, #tpu.memory_space<semaphore_mem>>) src(%dma_wait3A_35 : memref<1000x128xf32, #tpu.memory_space<vmem_shared>>) dst(%dma_wait3A_33 : memref<1000x128xf32, #tpu.memory_space<hbm>>)
        tpu.yield
      }) : () -> ()
    } else {
    }
    return
  }
}

module attributes {stable_mosaic.version = 14 : i64} {
  func.func @_node_mlp_body(%arg0: i32, %arg1: memref<1000x128xf32, #tpu.memory_space<vmem>>, %arg2: memref<128x256xf32, #tpu.memory_space<vmem>>, %arg3: memref<1x256xf32, #tpu.memory_space<vmem>>, %arg4: memref<256x128xf32, #tpu.memory_space<vmem>>, %arg5: memref<1x128xf32, #tpu.memory_space<vmem>>, %arg6: memref<128x128xf32, #tpu.memory_space<vmem>>, %arg7: memref<1x128xf32, #tpu.memory_space<vmem>>, %arg8: memref<1000x128xf32, #tpu.memory_space<vmem>>) attributes {dimension_semantics = [#tpu.dimension_semantics<arbitrary>], iteration_bounds = array<i64: 10>, scalar_prefetch = 0 : i64, scratch_operands = 0 : i64, tpu.core_type = #tpu.core_type<tc>, window_params = [{transform_indices = @transform_0, window_bounds = array<i64: 1000, 128>}, {pipeline_mode = #tpu.pipeline_mode<synchronous>, transform_indices = @transform_1, window_bounds = array<i64: 128, 256>}, {pipeline_mode = #tpu.pipeline_mode<synchronous>, transform_indices = @transform_2, window_bounds = array<i64: 1, 256>}, {pipeline_mode = #tpu.pipeline_mode<synchronous>, transform_indices = @transform_3, window_bounds = array<i64: 256, 128>}, {pipeline_mode = #tpu.pipeline_mode<synchronous>, transform_indices = @transform_4, window_bounds = array<i64: 1, 128>}, {pipeline_mode = #tpu.pipeline_mode<synchronous>, transform_indices = @transform_5, window_bounds = array<i64: 128, 128>}, {pipeline_mode = #tpu.pipeline_mode<synchronous>, transform_indices = @transform_6, window_bounds = array<i64: 1, 128>}, {transform_indices = @transform_7, window_bounds = array<i64: 1000, 128>}]} {
    %get3A = arith.constant 0 : index
    %get3A_0 = arith.constant 0 : index
    %get3A_1 = vector.load %arg1[%get3A, %get3A_0] : memref<1000x128xf32, #tpu.memory_space<vmem>>, vector<1000x128xf32>
    %get3A_2 = arith.constant 0 : index
    %get3A_3 = arith.constant 0 : index
    %get3A_4 = vector.load %arg2[%get3A_2, %get3A_3] : memref<128x256xf32, #tpu.memory_space<vmem>>, vector<128x256xf32>
    %dot_general3A = arith.constant dense<0.000000e+00> : vector<1000x256xf32>
    %dot_general3A_5 = tpu.matmul %get3A_1, %get3A_4, %dot_general3A {dimension_numbers = #tpu.dot_dimension_numbers<[1], [0], [0], [1], [0, 0, 1, 1], [], []>, transpose_lhs_hint = false} : vector<1000x128xf32>, vector<128x256xf32>, vector<1000x256xf32> -> vector<1000x256xf32>
    %get3A_6 = arith.constant 0 : index
    %get3A_7 = arith.constant 0 : index
    %get3A_8 = vector.load %arg3[%get3A_6, %get3A_7] : memref<1x256xf32, #tpu.memory_space<vmem>>, vector<1x256xf32>
    %add3A = vector.broadcast %get3A_8 : vector<1x256xf32> to vector<1000x256xf32>
    %add3A_9 = arith.addf %dot_general3A_5, %add3A : vector<1000x256xf32>
    %max3A = arith.constant 0.000000e+00 : f32
    %max3A_10 = vector.broadcast %max3A : f32 to vector<1000x256xf32>
    %max3A_11 = arith.maximumf %add3A_9, %max3A_10 : vector<1000x256xf32>
    %get3A_12 = arith.constant 0 : index
    %get3A_13 = arith.constant 0 : index
    %get3A_14 = vector.load %arg4[%get3A_12, %get3A_13] : memref<256x128xf32, #tpu.memory_space<vmem>>, vector<256x128xf32>
    %dot_general3A_15 = arith.constant dense<0.000000e+00> : vector<1000x128xf32>
    %dot_general3A_16 = tpu.matmul %max3A_11, %get3A_14, %dot_general3A_15 {dimension_numbers = #tpu.dot_dimension_numbers<[1], [0], [0], [1], [0, 0, 1, 1], [], []>, transpose_lhs_hint = false} : vector<1000x256xf32>, vector<256x128xf32>, vector<1000x128xf32> -> vector<1000x128xf32>
    %get3A_17 = arith.constant 0 : index
    %get3A_18 = arith.constant 0 : index
    %get3A_19 = vector.load %arg5[%get3A_17, %get3A_18] : memref<1x128xf32, #tpu.memory_space<vmem>>, vector<1x128xf32>
    %add3A_20 = vector.broadcast %get3A_19 : vector<1x128xf32> to vector<1000x128xf32>
    %add3A_21 = arith.addf %dot_general3A_16, %add3A_20 : vector<1000x128xf32>
    %max3A_22 = arith.constant 0.000000e+00 : f32
    %max3A_23 = vector.broadcast %max3A_22 : f32 to vector<1000x128xf32>
    %max3A_24 = arith.maximumf %add3A_21, %max3A_23 : vector<1000x128xf32>
    %get3A_25 = arith.constant 0 : index
    %get3A_26 = arith.constant 0 : index
    %get3A_27 = vector.load %arg6[%get3A_25, %get3A_26] : memref<128x128xf32, #tpu.memory_space<vmem>>, vector<128x128xf32>
    %dot_general3A_28 = arith.constant dense<0.000000e+00> : vector<1000x128xf32>
    %dot_general3A_29 = tpu.matmul %max3A_24, %get3A_27, %dot_general3A_28 {dimension_numbers = #tpu.dot_dimension_numbers<[1], [0], [0], [1], [0, 0, 1, 1], [], []>, transpose_lhs_hint = false} : vector<1000x128xf32>, vector<128x128xf32>, vector<1000x128xf32> -> vector<1000x128xf32>
    %get3A_30 = arith.constant 0 : index
    %get3A_31 = arith.constant 0 : index
    %get3A_32 = vector.load %arg7[%get3A_30, %get3A_31] : memref<1x128xf32, #tpu.memory_space<vmem>>, vector<1x128xf32>
    %add3A_33 = vector.broadcast %get3A_32 : vector<1x128xf32> to vector<1000x128xf32>
    %add3A_34 = arith.addf %dot_general3A_29, %add3A_33 : vector<1000x128xf32>
    %swap3A = arith.constant 0 : index
    %swap3A_35 = arith.constant 0 : index
    %swap3A_36 = vector.load %arg8[%swap3A, %swap3A_35] : memref<1000x128xf32, #tpu.memory_space<vmem>>, vector<1000x128xf32>
    tpu.vector_store %arg8[%swap3A, %swap3A_35], %add3A_34 {strides = array<i32>} : memref<1000x128xf32, #tpu.memory_space<vmem>>, vector<1000x128xf32>,
    return
  }
  func.func @transform_0(%arg0: i32) -> (i32, i32) {
    %c0_i32 = arith.constant 0 : i32
    %c0_i32_0 = arith.constant 0 : i32
    return %arg0, %c0_i32 : i32, i32
  }
  func.func @transform_1(%arg0: i32) -> (i32, i32) {
    %c0_i32 = arith.constant 0 : i32
    %c0_i32_0 = arith.constant 0 : i32
    %c0_i32_1 = arith.constant 0 : i32
    return %c0_i32, %c0_i32_0 : i32, i32
  }
  func.func @transform_2(%arg0: i32) -> (i32, i32) {
    %c0_i32 = arith.constant 0 : i32
    %c0_i32_0 = arith.constant 0 : i32
    %c0_i32_1 = arith.constant 0 : i32
    return %c0_i32, %c0_i32_0 : i32, i32
  }
  func.func @transform_3(%arg0: i32) -> (i32, i32) {
    %c0_i32 = arith.constant 0 : i32
    %c0_i32_0 = arith.constant 0 : i32
    %c0_i32_1 = arith.constant 0 : i32
    return %c0_i32, %c0_i32_0 : i32, i32
  }
  func.func @transform_4(%arg0: i32) -> (i32, i32) {
    %c0_i32 = arith.constant 0 : i32
    %c0_i32_0 = arith.constant 0 : i32
    %c0_i32_1 = arith.constant 0 : i32
    return %c0_i32, %c0_i32_0 : i32, i32
  }
  func.func @transform_5(%arg0: i32) -> (i32, i32) {
    %c0_i32 = arith.constant 0 : i32
    %c0_i32_0 = arith.constant 0 : i32
    %c0_i32_1 = arith.constant 0 : i32
    return %c0_i32, %c0_i32_0 : i32, i32
  }
  func.func @transform_6(%arg0: i32) -> (i32, i32) {
    %c0_i32 = arith.constant 0 : i32
    %c0_i32_0 = arith.constant 0 : i32
    %c0_i32_1 = arith.constant 0 : i32
    return %c0_i32, %c0_i32_0 : i32, i32
  }
  func.func @transform_7(%arg0: i32) -> (i32, i32) {
    %c0_i32 = arith.constant 0 : i32
    %c0_i32_0 = arith.constant 0 : i32
    return %arg0, %c0_i32 : i32, i32
  }
}

module attributes {stable_mosaic.version = 14 : i64} {
  func.func @_edge_mlp_body(%arg0: i32, %arg1: memref<2000x256xf32, #tpu.memory_space<vmem>>, %arg2: memref<2000x1xf32, #tpu.memory_space<vmem>>, %arg3: memref<1x256xf32, #tpu.memory_space<vmem>>, %arg4: memref<1x256xf32, #tpu.memory_space<vmem>>, %arg5: memref<256x128xbf16, #tpu.memory_space<vmem>>, %arg6: memref<1x128xf32, #tpu.memory_space<vmem>>, %arg7: memref<256x512xbf16, #tpu.memory_space<vmem>>, %arg8: memref<128x512xbf16, #tpu.memory_space<vmem>>, %arg9: memref<1x512xf32, #tpu.memory_space<vmem>>, %arg10: memref<256x128xbf16, #tpu.memory_space<vmem>>, %arg11: memref<1x128xf32, #tpu.memory_space<vmem>>, %arg12: memref<256x128xbf16, #tpu.memory_space<vmem>>, %arg13: memref<1x128xf32, #tpu.memory_space<vmem>>, %arg14: memref<128x128xbf16, #tpu.memory_space<vmem>>, %arg15: memref<1x128xf32, #tpu.memory_space<vmem>>, %arg16: memref<128x128xbf16, #tpu.memory_space<vmem>>, %arg17: memref<1x128xf32, #tpu.memory_space<vmem>>, %arg18: memref<2000x128xf32, #tpu.memory_space<vmem>>, %arg19: memref<2000x128xf32, #tpu.memory_space<vmem>>) attributes {dimension_semantics = [#tpu.dimension_semantics<arbitrary>], iteration_bounds = array<i64: 160>, scalar_prefetch = 0 : i64, scratch_operands = 0 : i64, tpu.core_type = #tpu.core_type<tc>, window_params = [{transform_indices = @transform_0, window_bounds = array<i64: 2000, 256>}, {transform_indices = @transform_1, window_bounds = array<i64: 2000, 1>}, {pipeline_mode = #tpu.pipeline_mode<synchronous>, transform_indices = @transform_2, window_bounds = array<i64: 1, 256>}, {pipeline_mode = #tpu.pipeline_mode<synchronous>, transform_indices = @transform_3, window_bounds = array<i64: 1, 256>}, {pipeline_mode = #tpu.pipeline_mode<synchronous>, transform_indices = @transform_4, window_bounds = array<i64: 256, 128>}, {pipeline_mode = #tpu.pipeline_mode<synchronous>, transform_indices = @transform_5, window_bounds = array<i64: 1, 128>}, {pipeline_mode = #tpu.pipeline_mode<synchronous>, transform_indices = @transform_6, window_bounds = array<i64: 256, 512>}, {pipeline_mode = #tpu.pipeline_mode<synchronous>, transform_indices = @transform_7, window_bounds = array<i64: 128, 512>}, {pipeline_mode = #tpu.pipeline_mode<synchronous>, transform_indices = @transform_8, window_bounds = array<i64: 1, 512>}, {pipeline_mode = #tpu.pipeline_mode<synchronous>, transform_indices = @transform_9, window_bounds = array<i64: 256, 128>}, {pipeline_mode = #tpu.pipeline_mode<synchronous>, transform_indices = @transform_10, window_bounds = array<i64: 1, 128>}, {pipeline_mode = #tpu.pipeline_mode<synchronous>, transform_indices = @transform_11, window_bounds = array<i64: 256, 128>}, {pipeline_mode = #tpu.pipeline_mode<synchronous>, transform_indices = @transform_12, window_bounds = array<i64: 1, 128>}, {pipeline_mode = #tpu.pipeline_mode<synchronous>, transform_indices = @transform_13, window_bounds = array<i64: 128, 128>}, {pipeline_mode = #tpu.pipeline_mode<synchronous>, transform_indices = @transform_14, window_bounds = array<i64: 1, 128>}, {pipeline_mode = #tpu.pipeline_mode<synchronous>, transform_indices = @transform_15, window_bounds = array<i64: 128, 128>}, {pipeline_mode = #tpu.pipeline_mode<synchronous>, transform_indices = @transform_16, window_bounds = array<i64: 1, 128>}, {transform_indices = @transform_17, window_bounds = array<i64: 2000, 128>}, {transform_indices = @transform_18, window_bounds = array<i64: 2000, 128>}]} {
    %get3A = arith.constant 0 : index
    %get3A_0 = arith.constant 0 : index
    %get3A_1 = vector.load %arg2[%get3A, %get3A_0] : memref<2000x1xf32, #tpu.memory_space<vmem>>, vector<2000x1xf32>
    %get3A_2 = arith.constant 0 : index
    %get3A_3 = arith.constant 0 : index
    %get3A_4 = vector.load %arg3[%get3A_2, %get3A_3] : memref<1x256xf32, #tpu.memory_space<vmem>>, vector<1x256xf32>
    %mul3A = vector.broadcast %get3A_1 : vector<2000x1xf32> to vector<2000x256xf32>
    %mul3A_5 = vector.broadcast %get3A_4 : vector<1x256xf32> to vector<2000x256xf32>
    %mul3A_6 = arith.mulf %mul3A, %mul3A_5 : vector<2000x256xf32>
    %get3A_7 = arith.constant 0 : index
    %get3A_8 = arith.constant 0 : index
    %get3A_9 = vector.load %arg4[%get3A_7, %get3A_8] : memref<1x256xf32, #tpu.memory_space<vmem>>, vector<1x256xf32>
    %add3A = vector.broadcast %get3A_9 : vector<1x256xf32> to vector<2000x256xf32>
    %add3A_10 = arith.addf %mul3A_6, %add3A : vector<2000x256xf32>
    %max3A = arith.constant 0.000000e+00 : f32
    %max3A_11 = vector.broadcast %max3A : f32 to vector<2000x256xf32>
    %max3A_12 = arith.maximumf %add3A_10, %max3A_11 : vector<2000x256xf32>
    %convert_element_type3A = arith.truncf %max3A_12 : vector<2000x256xf32> to vector<2000x256xbf16>
    %get3A_13 = arith.constant 0 : index
    %get3A_14 = arith.constant 0 : index
    %get3A_15 = vector.load %arg5[%get3A_13, %get3A_14] : memref<256x128xbf16, #tpu.memory_space<vmem>>, vector<256x128xbf16>
    %dot_general3A = arith.constant dense<0.000000e+00> : vector<2000x128xf32>
    %dot_general3A_16 = tpu.matmul %convert_element_type3A, %get3A_15, %dot_general3A {dimension_numbers = #tpu.dot_dimension_numbers<[1], [0], [0], [1], [0, 0, 1, 1], [], []>, transpose_lhs_hint = false} : vector<2000x256xbf16>, vector<256x128xbf16>, vector<2000x128xf32> -> vector<2000x128xf32>
    %get3A_17 = arith.constant 0 : index
    %get3A_18 = arith.constant 0 : index
    %get3A_19 = vector.load %arg6[%get3A_17, %get3A_18] : memref<1x128xf32, #tpu.memory_space<vmem>>, vector<1x128xf32>
    %add3A_20 = vector.broadcast %get3A_19 : vector<1x128xf32> to vector<2000x128xf32>
    %add3A_21 = arith.addf %dot_general3A_16, %add3A_20 : vector<2000x128xf32>
    %max3A_22 = arith.constant 0.000000e+00 : f32
    %max3A_23 = vector.broadcast %max3A_22 : f32 to vector<2000x128xf32>
    %max3A_24 = arith.maximumf %add3A_21, %max3A_23 : vector<2000x128xf32>
    %get3A_25 = arith.constant 0 : index
    %get3A_26 = arith.constant 0 : index
    %get3A_27 = vector.load %arg1[%get3A_25, %get3A_26] : memref<2000x256xf32, #tpu.memory_space<vmem>>, vector<2000x256xf32>
    %convert_element_type3A_28 = arith.truncf %get3A_27 : vector<2000x256xf32> to vector<2000x256xbf16>
    %get3A_29 = arith.constant 0 : index
    %get3A_30 = arith.constant 0 : index
    %get3A_31 = vector.load %arg7[%get3A_29, %get3A_30] : memref<256x512xbf16, #tpu.memory_space<vmem>>, vector<256x512xbf16>
    %dot_general3A_32 = arith.constant dense<0.000000e+00> : vector<2000x512xf32>
    %dot_general3A_33 = tpu.matmul %convert_element_type3A_28, %get3A_31, %dot_general3A_32 {dimension_numbers = #tpu.dot_dimension_numbers<[1], [0], [0], [1], [0, 0, 1, 1], [], []>, transpose_lhs_hint = false} : vector<2000x256xbf16>, vector<256x512xbf16>, vector<2000x512xf32> -> vector<2000x512xf32>
    %convert_element_type3A_34 = arith.truncf %max3A_24 : vector<2000x128xf32> to vector<2000x128xbf16>
    %get3A_35 = arith.constant 0 : index
    %get3A_36 = arith.constant 0 : index
    %get3A_37 = vector.load %arg8[%get3A_35, %get3A_36] : memref<128x512xbf16, #tpu.memory_space<vmem>>, vector<128x512xbf16>
    %dot_general3A_38 = arith.constant dense<0.000000e+00> : vector<2000x512xf32>
    %dot_general3A_39 = tpu.matmul %convert_element_type3A_34, %get3A_37, %dot_general3A_38 {dimension_numbers = #tpu.dot_dimension_numbers<[1], [0], [0], [1], [0, 0, 1, 1], [], []>, transpose_lhs_hint = false} : vector<2000x128xbf16>, vector<128x512xbf16>, vector<2000x512xf32> -> vector<2000x512xf32>
    %add3A_40 = arith.addf %dot_general3A_33, %dot_general3A_39 : vector<2000x512xf32>
    %get3A_41 = arith.constant 0 : index
    %get3A_42 = arith.constant 0 : index
    %get3A_43 = vector.load %arg9[%get3A_41, %get3A_42] : memref<1x512xf32, #tpu.memory_space<vmem>>, vector<1x512xf32>
    %add3A_44 = vector.broadcast %get3A_43 : vector<1x512xf32> to vector<2000x512xf32>
    %add3A_45 = arith.addf %add3A_40, %add3A_44 : vector<2000x512xf32>
    %max3A_46 = arith.constant 0.000000e+00 : f32
    %max3A_47 = vector.broadcast %max3A_46 : f32 to vector<2000x512xf32>
    %max3A_48 = arith.maximumf %add3A_45, %max3A_47 : vector<2000x512xf32>
    %convert_element_type3A_49 = arith.truncf %max3A_48 : vector<2000x512xf32> to vector<2000x512xbf16>
    %slice3A = vector.extract_strided_slice %convert_element_type3A_49 {offsets = [0, 0], sizes = [2000, 256], strides = [1, 1]} : vector<2000x512xbf16> to vector<2000x256xbf16>
    %get3A_50 = arith.constant 0 : index
    %get3A_51 = arith.constant 0 : index
    %get3A_52 = vector.load %arg10[%get3A_50, %get3A_51] : memref<256x128xbf16, #tpu.memory_space<vmem>>, vector<256x128xbf16>
    %dot_general3A_53 = arith.constant dense<0.000000e+00> : vector<2000x128xf32>
    %dot_general3A_54 = tpu.matmul %slice3A, %get3A_52, %dot_general3A_53 {dimension_numbers = #tpu.dot_dimension_numbers<[1], [0], [0], [1], [0, 0, 1, 1], [], []>, transpose_lhs_hint = false} : vector<2000x256xbf16>, vector<256x128xbf16>, vector<2000x128xf32> -> vector<2000x128xf32>
    %get3A_55 = arith.constant 0 : index
    %get3A_56 = arith.constant 0 : index
    %get3A_57 = vector.load %arg11[%get3A_55, %get3A_56] : memref<1x128xf32, #tpu.memory_space<vmem>>, vector<1x128xf32>
    %add3A_58 = vector.broadcast %get3A_57 : vector<1x128xf32> to vector<2000x128xf32>
    %add3A_59 = arith.addf %dot_general3A_54, %add3A_58 : vector<2000x128xf32>
    %max3A_60 = arith.constant 0.000000e+00 : f32
    %max3A_61 = vector.broadcast %max3A_60 : f32 to vector<2000x128xf32>
    %max3A_62 = arith.maximumf %add3A_59, %max3A_61 : vector<2000x128xf32>
    %slice3A_63 = vector.extract_strided_slice %convert_element_type3A_49 {offsets = [0, 256], sizes = [2000, 256], strides = [1, 1]} : vector<2000x512xbf16> to vector<2000x256xbf16>
    %get3A_64 = arith.constant 0 : index
    %get3A_65 = arith.constant 0 : index
    %get3A_66 = vector.load %arg12[%get3A_64, %get3A_65] : memref<256x128xbf16, #tpu.memory_space<vmem>>, vector<256x128xbf16>
    %dot_general3A_67 = arith.constant dense<0.000000e+00> : vector<2000x128xf32>
    %dot_general3A_68 = tpu.matmul %slice3A_63, %get3A_66, %dot_general3A_67 {dimension_numbers = #tpu.dot_dimension_numbers<[1], [0], [0], [1], [0, 0, 1, 1], [], []>, transpose_lhs_hint = false} : vector<2000x256xbf16>, vector<256x128xbf16>, vector<2000x128xf32> -> vector<2000x128xf32>
    %get3A_69 = arith.constant 0 : index
    %get3A_70 = arith.constant 0 : index
    %get3A_71 = vector.load %arg13[%get3A_69, %get3A_70] : memref<1x128xf32, #tpu.memory_space<vmem>>, vector<1x128xf32>
    %add3A_72 = vector.broadcast %get3A_71 : vector<1x128xf32> to vector<2000x128xf32>
    %add3A_73 = arith.addf %dot_general3A_68, %add3A_72 : vector<2000x128xf32>
    %max3A_74 = arith.constant 0.000000e+00 : f32
    %max3A_75 = vector.broadcast %max3A_74 : f32 to vector<2000x128xf32>
    %max3A_76 = arith.maximumf %add3A_73, %max3A_75 : vector<2000x128xf32>
    %convert_element_type3A_77 = arith.truncf %max3A_62 : vector<2000x128xf32> to vector<2000x128xbf16>
    %get3A_78 = arith.constant 0 : index
    %get3A_79 = arith.constant 0 : index
    %get3A_80 = vector.load %arg14[%get3A_78, %get3A_79] : memref<128x128xbf16, #tpu.memory_space<vmem>>, vector<128x128xbf16>
    %dot_general3A_81 = arith.constant dense<0.000000e+00> : vector<2000x128xf32>
    %dot_general3A_82 = tpu.matmul %convert_element_type3A_77, %get3A_80, %dot_general3A_81 {dimension_numbers = #tpu.dot_dimension_numbers<[1], [0], [0], [1], [0, 0, 1, 1], [], []>, transpose_lhs_hint = false} : vector<2000x128xbf16>, vector<128x128xbf16>, vector<2000x128xf32> -> vector<2000x128xf32>
    %get3A_83 = arith.constant 0 : index
    %get3A_84 = arith.constant 0 : index
    %get3A_85 = vector.load %arg15[%get3A_83, %get3A_84] : memref<1x128xf32, #tpu.memory_space<vmem>>, vector<1x128xf32>
    %add3A_86 = vector.broadcast %get3A_85 : vector<1x128xf32> to vector<2000x128xf32>
    %add3A_87 = arith.addf %dot_general3A_82, %add3A_86 : vector<2000x128xf32>
    %swap3A = arith.constant 0 : index
    %swap3A_88 = arith.constant 0 : index
    %swap3A_89 = vector.load %arg18[%swap3A, %swap3A_88] : memref<2000x128xf32, #tpu.memory_space<vmem>>, vector<2000x128xf32>
    tpu.vector_store %arg18[%swap3A, %swap3A_88], %add3A_87 {strides = array<i32>} : memref<2000x128xf32, #tpu.memory_space<vmem>>, vector<2000x128xf32>,
    %convert_element_type3A_90 = arith.truncf %max3A_76 : vector<2000x128xf32> to vector<2000x128xbf16>
    %get3A_91 = arith.constant 0 : index
    %get3A_92 = arith.constant 0 : index
    %get3A_93 = vector.load %arg16[%get3A_91, %get3A_92] : memref<128x128xbf16, #tpu.memory_space<vmem>>, vector<128x128xbf16>
    %dot_general3A_94 = arith.constant dense<0.000000e+00> : vector<2000x128xf32>
    %dot_general3A_95 = tpu.matmul %convert_element_type3A_90, %get3A_93, %dot_general3A_94 {dimension_numbers = #tpu.dot_dimension_numbers<[1], [0], [0], [1], [0, 0, 1, 1], [], []>, transpose_lhs_hint = false} : vector<2000x128xbf16>, vector<128x128xbf16>, vector<2000x128xf32> -> vector<2000x128xf32>
    %get3A_96 = arith.constant 0 : index
    %get3A_97 = arith.constant 0 : index
    %get3A_98 = vector.load %arg17[%get3A_96, %get3A_97] : memref<1x128xf32, #tpu.memory_space<vmem>>, vector<1x128xf32>
    %add3A_99 = vector.broadcast %get3A_98 : vector<1x128xf32> to vector<2000x128xf32>
    %add3A_100 = arith.addf %dot_general3A_95, %add3A_99 : vector<2000x128xf32>
    %swap3A_101 = arith.constant 0 : index
    %swap3A_102 = arith.constant 0 : index
    %swap3A_103 = vector.load %arg19[%swap3A_101, %swap3A_102] : memref<2000x128xf32, #tpu.memory_space<vmem>>, vector<2000x128xf32>
    tpu.vector_store %arg19[%swap3A_101, %swap3A_102], %add3A_100 {strides = array<i32>} : memref<2000x128xf32, #tpu.memory_space<vmem>>, vector<2000x128xf32>,
    return
  }
  func.func @transform_0(%arg0: i32) -> (i32, i32) {
    %c0_i32 = arith.constant 0 : i32
    %c0_i32_0 = arith.constant 0 : i32
    return %arg0, %c0_i32 : i32, i32
  }
  func.func @transform_1(%arg0: i32) -> (i32, i32) {
    %c0_i32 = arith.constant 0 : i32
    %c0_i32_0 = arith.constant 0 : i32
    return %arg0, %c0_i32 : i32, i32
  }
  func.func @transform_2(%arg0: i32) -> (i32, i32) {
    %c0_i32 = arith.constant 0 : i32
    %c0_i32_0 = arith.constant 0 : i32
    %c0_i32_1 = arith.constant 0 : i32
    return %c0_i32, %c0_i32_0 : i32, i32
  }
  func.func @transform_3(%arg0: i32) -> (i32, i32) {
    %c0_i32 = arith.constant 0 : i32
    %c0_i32_0 = arith.constant 0 : i32
    %c0_i32_1 = arith.constant 0 : i32
    return %c0_i32, %c0_i32_0 : i32, i32
  }
  func.func @transform_4(%arg0: i32) -> (i32, i32) {
    %c0_i32 = arith.constant 0 : i32
    %c0_i32_0 = arith.constant 0 : i32
    %c0_i32_1 = arith.constant 0 : i32
    return %c0_i32, %c0_i32_0 : i32, i32
  }
  func.func @transform_5(%arg0: i32) -> (i32, i32) {
    %c0_i32 = arith.constant 0 : i32
    %c0_i32_0 = arith.constant 0 : i32
    %c0_i32_1 = arith.constant 0 : i32
    return %c0_i32, %c0_i32_0 : i32, i32
  }
  func.func @transform_6(%arg0: i32) -> (i32, i32) {
    %c0_i32 = arith.constant 0 : i32
    %c0_i32_0 = arith.constant 0 : i32
    %c0_i32_1 = arith.constant 0 : i32
    return %c0_i32, %c0_i32_0 : i32, i32
  }
  func.func @transform_7(%arg0: i32) -> (i32, i32) {
    %c0_i32 = arith.constant 0 : i32
    %c0_i32_0 = arith.constant 0 : i32
    %c0_i32_1 = arith.constant 0 : i32
    return %c0_i32, %c0_i32_0 : i32, i32
  }
  func.func @transform_8(%arg0: i32) -> (i32, i32) {
    %c0_i32 = arith.constant 0 : i32
    %c0_i32_0 = arith.constant 0 : i32
    %c0_i32_1 = arith.constant 0 : i32
    return %c0_i32, %c0_i32_0 : i32, i32
  }
  func.func @transform_9(%arg0: i32) -> (i32, i32) {
    %c0_i32 = arith.constant 0 : i32
    %c0_i32_0 = arith.constant 0 : i32
    %c0_i32_1 = arith.constant 0 : i32
    return %c0_i32, %c0_i32_0 : i32, i32
  }
  func.func @transform_10(%arg0: i32) -> (i32, i32) {
    %c0_i32 = arith.constant 0 : i32
    %c0_i32_0 = arith.constant 0 : i32
    %c0_i32_1 = arith.constant 0 : i32
    return %c0_i32, %c0_i32_0 : i32, i32
  }
  func.func @transform_11(%arg0: i32) -> (i32, i32) {
    %c0_i32 = arith.constant 0 : i32
    %c0_i32_0 = arith.constant 0 : i32
    %c0_i32_1 = arith.constant 0 : i32
    return %c0_i32, %c0_i32_0 : i32, i32
  }
  func.func @transform_12(%arg0: i32) -> (i32, i32) {
    %c0_i32 = arith.constant 0 : i32
    %c0_i32_0 = arith.constant 0 : i32
    %c0_i32_1 = arith.constant 0 : i32
    return %c0_i32, %c0_i32_0 : i32, i32
  }
  func.func @transform_13(%arg0: i32) -> (i32, i32) {
    %c0_i32 = arith.constant 0 : i32
    %c0_i32_0 = arith.constant 0 : i32
    %c0_i32_1 = arith.constant 0 : i32
    return %c0_i32, %c0_i32_0 : i32, i32
  }
  func.func @transform_14(%arg0: i32) -> (i32, i32) {
    %c0_i32 = arith.constant 0 : i32
    %c0_i32_0 = arith.constant 0 : i32
    %c0_i32_1 = arith.constant 0 : i32
    return %c0_i32, %c0_i32_0 : i32, i32
  }
  func.func @transform_15(%arg0: i32) -> (i32, i32) {
    %c0_i32 = arith.constant 0 : i32
    %c0_i32_0 = arith.constant 0 : i32
    %c0_i32_1 = arith.constant 0 : i32
    return %c0_i32, %c0_i32_0 : i32, i32
  }
  func.func @transform_16(%arg0: i32) -> (i32, i32) {
    %c0_i32 = arith.constant 0 : i32
    %c0_i32_0 = arith.constant 0 : i32
    %c0_i32_1 = arith.constant 0 : i32
    return %c0_i32, %c0_i32_0 : i32, i32
  }
  func.func @transform_17(%arg0: i32) -> (i32, i32) {
    %c0_i32 = arith.constant 0 : i32
    %c0_i32_0 = arith.constant 0 : i32
    return %arg0, %c0_i32 : i32, i32
  }
  func.func @transform_18(%arg0: i32) -> (i32, i32) {
    %c0_i32 = arith.constant 0 : i32
    %c0_i32_0 = arith.constant 0 : i32
    return %arg0, %c0_i32 : i32, i32
  }
}

module attributes {stable_mosaic.version = 14 : i64} {
  func.func @_final_body(%arg0: i32, %arg1: memref<1000x128xf32, #tpu.memory_space<vmem>>, %arg2: memref<1000x128xf32, #tpu.memory_space<vmem>>, %arg3: memref<1000x128xf32, #tpu.memory_space<vmem>>, %arg4: memref<1000x128xf32, #tpu.memory_space<vmem>>, %arg5: memref<1000x128xf32, #tpu.memory_space<vmem>>, %arg6: memref<128x256xf32, #tpu.memory_space<vmem>>, %arg7: memref<128x256xf32, #tpu.memory_space<vmem>>, %arg8: memref<128x256xf32, #tpu.memory_space<vmem>>, %arg9: memref<1x256xf32, #tpu.memory_space<vmem>>, %arg10: memref<256x128xf32, #tpu.memory_space<vmem>>, %arg11: memref<1x128xf32, #tpu.memory_space<vmem>>, %arg12: memref<128x128xf32, #tpu.memory_space<vmem>>, %arg13: memref<1x128xf32, #tpu.memory_space<vmem>>, %arg14: memref<1000x128xf32, #tpu.memory_space<vmem>>) attributes {dimension_semantics = [#tpu.dimension_semantics<arbitrary>], iteration_bounds = array<i64: 10>, scalar_prefetch = 0 : i64, scratch_operands = 0 : i64, tpu.core_type = #tpu.core_type<tc>, window_params = [{transform_indices = @transform_0, window_bounds = array<i64: 1000, 128>}, {transform_indices = @transform_1, window_bounds = array<i64: 1000, 128>}, {transform_indices = @transform_2, window_bounds = array<i64: 1000, 128>}, {transform_indices = @transform_3, window_bounds = array<i64: 1000, 128>}, {transform_indices = @transform_4, window_bounds = array<i64: 1000, 128>}, {pipeline_mode = #tpu.pipeline_mode<synchronous>, transform_indices = @transform_5, window_bounds = array<i64: 128, 256>}, {pipeline_mode = #tpu.pipeline_mode<synchronous>, transform_indices = @transform_6, window_bounds = array<i64: 128, 256>}, {pipeline_mode = #tpu.pipeline_mode<synchronous>, transform_indices = @transform_7, window_bounds = array<i64: 128, 256>}, {pipeline_mode = #tpu.pipeline_mode<synchronous>, transform_indices = @transform_8, window_bounds = array<i64: 1, 256>}, {pipeline_mode = #tpu.pipeline_mode<synchronous>, transform_indices = @transform_9, window_bounds = array<i64: 256, 128>}, {pipeline_mode = #tpu.pipeline_mode<synchronous>, transform_indices = @transform_10, window_bounds = array<i64: 1, 128>}, {pipeline_mode = #tpu.pipeline_mode<synchronous>, transform_indices = @transform_11, window_bounds = array<i64: 128, 128>}, {pipeline_mode = #tpu.pipeline_mode<synchronous>, transform_indices = @transform_12, window_bounds = array<i64: 1, 128>}, {transform_indices = @transform_13, window_bounds = array<i64: 1000, 128>}]} {
    %get3A = arith.constant 0 : index
    %get3A_0 = arith.constant 0 : index
    %get3A_1 = vector.load %arg4[%get3A, %get3A_0] : memref<1000x128xf32, #tpu.memory_space<vmem>>, vector<1000x128xf32>
    %slice3A = vector.extract_strided_slice %get3A_1 {offsets = [0, 0], sizes = [1000, 1], strides = [1, 1]} : vector<1000x128xf32> to vector<1000x1xf32>
    %get3A_2 = arith.constant 0 : index
    %get3A_3 = arith.constant 0 : index
    %get3A_4 = vector.load %arg5[%get3A_2, %get3A_3] : memref<1000x128xf32, #tpu.memory_space<vmem>>, vector<1000x128xf32>
    %slice3A_5 = vector.extract_strided_slice %get3A_4 {offsets = [0, 0], sizes = [1000, 1], strides = [1, 1]} : vector<1000x128xf32> to vector<1000x1xf32>
    %add3A = arith.addf %slice3A, %slice3A_5 : vector<1000x1xf32>
    %max3A = arith.constant 1.000000e+00 : f32
    %max3A_6 = vector.broadcast %max3A : f32 to vector<1000x1xf32>
    %max3A_7 = arith.maximumf %add3A, %max3A_6 : vector<1000x1xf32>
    %div3A = arith.constant 1.000000e+00 : f32
    %div3A_8 = vector.broadcast %div3A : f32 to vector<1000x1xf32>
    %div3A_9 = arith.divf %div3A_8, %max3A_7 : vector<1000x1xf32>
    %get3A_10 = arith.constant 0 : index
    %get3A_11 = arith.constant 0 : index
    %get3A_12 = vector.load %arg1[%get3A_10, %get3A_11] : memref<1000x128xf32, #tpu.memory_space<vmem>>, vector<1000x128xf32>
    %get3A_13 = arith.constant 0 : index
    %get3A_14 = arith.constant 0 : index
    %get3A_15 = vector.load %arg6[%get3A_13, %get3A_14] : memref<128x256xf32, #tpu.memory_space<vmem>>, vector<128x256xf32>
    %dot_general3A = arith.constant dense<0.000000e+00> : vector<1000x256xf32>
    %dot_general3A_16 = tpu.matmul %get3A_12, %get3A_15, %dot_general3A {dimension_numbers = #tpu.dot_dimension_numbers<[1], [0], [0], [1], [0, 0, 1, 1], [], []>, transpose_lhs_hint = false} : vector<1000x128xf32>, vector<128x256xf32>, vector<1000x256xf32> -> vector<1000x256xf32>
    %get3A_17 = arith.constant 0 : index
    %get3A_18 = arith.constant 0 : index
    %get3A_19 = vector.load %arg2[%get3A_17, %get3A_18] : memref<1000x128xf32, #tpu.memory_space<vmem>>, vector<1000x128xf32>
    %mul3A = vector.broadcast %div3A_9 : vector<1000x1xf32> to vector<1000x128xf32>
    %mul3A_20 = arith.mulf %get3A_19, %mul3A : vector<1000x128xf32>
    %get3A_21 = arith.constant 0 : index
    %get3A_22 = arith.constant 0 : index
    %get3A_23 = vector.load %arg7[%get3A_21, %get3A_22] : memref<128x256xf32, #tpu.memory_space<vmem>>, vector<128x256xf32>
    %dot_general3A_24 = arith.constant dense<0.000000e+00> : vector<1000x256xf32>
    %dot_general3A_25 = tpu.matmul %mul3A_20, %get3A_23, %dot_general3A_24 {dimension_numbers = #tpu.dot_dimension_numbers<[1], [0], [0], [1], [0, 0, 1, 1], [], []>, transpose_lhs_hint = false} : vector<1000x128xf32>, vector<128x256xf32>, vector<1000x256xf32> -> vector<1000x256xf32>
    %add3A_26 = arith.addf %dot_general3A_16, %dot_general3A_25 : vector<1000x256xf32>
    %get3A_27 = arith.constant 0 : index
    %get3A_28 = arith.constant 0 : index
    %get3A_29 = vector.load %arg3[%get3A_27, %get3A_28] : memref<1000x128xf32, #tpu.memory_space<vmem>>, vector<1000x128xf32>
    %mul3A_30 = vector.broadcast %div3A_9 : vector<1000x1xf32> to vector<1000x128xf32>
    %mul3A_31 = arith.mulf %get3A_29, %mul3A_30 : vector<1000x128xf32>
    %get3A_32 = arith.constant 0 : index
    %get3A_33 = arith.constant 0 : index
    %get3A_34 = vector.load %arg8[%get3A_32, %get3A_33] : memref<128x256xf32, #tpu.memory_space<vmem>>, vector<128x256xf32>
    %dot_general3A_35 = arith.constant dense<0.000000e+00> : vector<1000x256xf32>
    %dot_general3A_36 = tpu.matmul %mul3A_31, %get3A_34, %dot_general3A_35 {dimension_numbers = #tpu.dot_dimension_numbers<[1], [0], [0], [1], [0, 0, 1, 1], [], []>, transpose_lhs_hint = false} : vector<1000x128xf32>, vector<128x256xf32>, vector<1000x256xf32> -> vector<1000x256xf32>
    %add3A_37 = arith.addf %add3A_26, %dot_general3A_36 : vector<1000x256xf32>
    %get3A_38 = arith.constant 0 : index
    %get3A_39 = arith.constant 0 : index
    %get3A_40 = vector.load %arg9[%get3A_38, %get3A_39] : memref<1x256xf32, #tpu.memory_space<vmem>>, vector<1x256xf32>
    %add3A_41 = vector.broadcast %get3A_40 : vector<1x256xf32> to vector<1000x256xf32>
    %add3A_42 = arith.addf %add3A_37, %add3A_41 : vector<1000x256xf32>
    %max3A_43 = arith.constant 0.000000e+00 : f32
    %max3A_44 = vector.broadcast %max3A_43 : f32 to vector<1000x256xf32>
    %max3A_45 = arith.maximumf %add3A_42, %max3A_44 : vector<1000x256xf32>
    %get3A_46 = arith.constant 0 : index
    %get3A_47 = arith.constant 0 : index
    %get3A_48 = vector.load %arg10[%get3A_46, %get3A_47] : memref<256x128xf32, #tpu.memory_space<vmem>>, vector<256x128xf32>
    %dot_general3A_49 = arith.constant dense<0.000000e+00> : vector<1000x128xf32>
    %dot_general3A_50 = tpu.matmul %max3A_45, %get3A_48, %dot_general3A_49 {dimension_numbers = #tpu.dot_dimension_numbers<[1], [0], [0], [1], [0, 0, 1, 1], [], []>, transpose_lhs_hint = false} : vector<1000x256xf32>, vector<256x128xf32>, vector<1000x128xf32> -> vector<1000x128xf32>
    %get3A_51 = arith.constant 0 : index
    %get3A_52 = arith.constant 0 : index
    %get3A_53 = vector.load %arg11[%get3A_51, %get3A_52] : memref<1x128xf32, #tpu.memory_space<vmem>>, vector<1x128xf32>
    %add3A_54 = vector.broadcast %get3A_53 : vector<1x128xf32> to vector<1000x128xf32>
    %add3A_55 = arith.addf %dot_general3A_50, %add3A_54 : vector<1000x128xf32>
    %max3A_56 = arith.constant 0.000000e+00 : f32
    %max3A_57 = vector.broadcast %max3A_56 : f32 to vector<1000x128xf32>
    %max3A_58 = arith.maximumf %add3A_55, %max3A_57 : vector<1000x128xf32>
    %get3A_59 = arith.constant 0 : index
    %get3A_60 = arith.constant 0 : index
    %get3A_61 = vector.load %arg12[%get3A_59, %get3A_60] : memref<128x128xf32, #tpu.memory_space<vmem>>, vector<128x128xf32>
    %dot_general3A_62 = arith.constant dense<0.000000e+00> : vector<1000x128xf32>
    %dot_general3A_63 = tpu.matmul %max3A_58, %get3A_61, %dot_general3A_62 {dimension_numbers = #tpu.dot_dimension_numbers<[1], [0], [0], [1], [0, 0, 1, 1], [], []>, transpose_lhs_hint = false} : vector<1000x128xf32>, vector<128x128xf32>, vector<1000x128xf32> -> vector<1000x128xf32>
    %get3A_64 = arith.constant 0 : index
    %get3A_65 = arith.constant 0 : index
    %get3A_66 = vector.load %arg13[%get3A_64, %get3A_65] : memref<1x128xf32, #tpu.memory_space<vmem>>, vector<1x128xf32>
    %add3A_67 = vector.broadcast %get3A_66 : vector<1x128xf32> to vector<1000x128xf32>
    %add3A_68 = arith.addf %dot_general3A_63, %add3A_67 : vector<1000x128xf32>
    %add3A_69 = arith.addf %add3A_68, %get3A_12 : vector<1000x128xf32>
    %swap3A = arith.constant 0 : index
    %swap3A_70 = arith.constant 0 : index
    %swap3A_71 = vector.load %arg14[%swap3A, %swap3A_70] : memref<1000x128xf32, #tpu.memory_space<vmem>>, vector<1000x128xf32>
    tpu.vector_store %arg14[%swap3A, %swap3A_70], %add3A_69 {strides = array<i32>} : memref<1000x128xf32, #tpu.memory_space<vmem>>, vector<1000x128xf32>,
    return
  }
  func.func @transform_0(%arg0: i32) -> (i32, i32) {
    %c0_i32 = arith.constant 0 : i32
    %c0_i32_0 = arith.constant 0 : i32
    return %arg0, %c0_i32 : i32, i32
  }
  func.func @transform_1(%arg0: i32) -> (i32, i32) {
    %c0_i32 = arith.constant 0 : i32
    %c0_i32_0 = arith.constant 0 : i32
    return %arg0, %c0_i32 : i32, i32
  }
  func.func @transform_2(%arg0: i32) -> (i32, i32) {
    %c0_i32 = arith.constant 0 : i32
    %c0_i32_0 = arith.constant 0 : i32
    return %arg0, %c0_i32 : i32, i32
  }
  func.func @transform_3(%arg0: i32) -> (i32, i32) {
    %c0_i32 = arith.constant 0 : i32
    %c0_i32_0 = arith.constant 0 : i32
    return %arg0, %c0_i32 : i32, i32
  }
  func.func @transform_4(%arg0: i32) -> (i32, i32) {
    %c0_i32 = arith.constant 0 : i32
    %c0_i32_0 = arith.constant 0 : i32
    return %arg0, %c0_i32 : i32, i32
  }
  func.func @transform_5(%arg0: i32) -> (i32, i32) {
    %c0_i32 = arith.constant 0 : i32
    %c0_i32_0 = arith.constant 0 : i32
    %c0_i32_1 = arith.constant 0 : i32
    return %c0_i32, %c0_i32_0 : i32, i32
  }
  func.func @transform_6(%arg0: i32) -> (i32, i32) {
    %c0_i32 = arith.constant 0 : i32
    %c0_i32_0 = arith.constant 0 : i32
    %c0_i32_1 = arith.constant 0 : i32
    return %c0_i32, %c0_i32_0 : i32, i32
  }
  func.func @transform_7(%arg0: i32) -> (i32, i32) {
    %c0_i32 = arith.constant 0 : i32
    %c0_i32_0 = arith.constant 0 : i32
    %c0_i32_1 = arith.constant 0 : i32
    return %c0_i32, %c0_i32_0 : i32, i32
  }
  func.func @transform_8(%arg0: i32) -> (i32, i32) {
    %c0_i32 = arith.constant 0 : i32
    %c0_i32_0 = arith.constant 0 : i32
    %c0_i32_1 = arith.constant 0 : i32
    return %c0_i32, %c0_i32_0 : i32, i32
  }
  func.func @transform_9(%arg0: i32) -> (i32, i32) {
    %c0_i32 = arith.constant 0 : i32
    %c0_i32_0 = arith.constant 0 : i32
    %c0_i32_1 = arith.constant 0 : i32
    return %c0_i32, %c0_i32_0 : i32, i32
  }
  func.func @transform_10(%arg0: i32) -> (i32, i32) {
    %c0_i32 = arith.constant 0 : i32
    %c0_i32_0 = arith.constant 0 : i32
    %c0_i32_1 = arith.constant 0 : i32
    return %c0_i32, %c0_i32_0 : i32, i32
  }
  func.func @transform_11(%arg0: i32) -> (i32, i32) {
    %c0_i32 = arith.constant 0 : i32
    %c0_i32_0 = arith.constant 0 : i32
    %c0_i32_1 = arith.constant 0 : i32
    return %c0_i32, %c0_i32_0 : i32, i32
  }
  func.func @transform_12(%arg0: i32) -> (i32, i32) {
    %c0_i32 = arith.constant 0 : i32
    %c0_i32_0 = arith.constant 0 : i32
    %c0_i32_1 = arith.constant 0 : i32
    return %c0_i32, %c0_i32_0 : i32, i32
  }
  func.func @transform_13(%arg0: i32) -> (i32, i32) {
    %c0_i32 = arith.constant 0 : i32
    %c0_i32_0 = arith.constant 0 : i32
    return %arg0, %c0_i32 : i32, i32
  }
}

</mosaic_0001>

<sc_bundles>
// kernel: kernel.10.cloned.1.call-start
scs
__scs_entry_jumppad:
0x0: {  	(pc) =	sbr.rel $0x88, $3  }
0x1: {  	(tag) =	ssettag $0x0;
	lr =	simm.s32 $0x1  }
0x2: {  	[smem:$0x3F80] =	sst lr;
	_ =	strace $0xD0000000  }
0x3: {  	_ = 	snop  }
0x4: {  	_ = 	snop  }
0x5: {  	_ = 	snop  }
0x6: {  	_ = 	snop  }
0x7: {  	_ = 	snop  }
__scs_overlays_trampoline_lowered:
0x8: {  	[smem:$0x3F8F] =	sst s0  }
0x9: {  	[smem:$0x3F90] =	sst s1  }
0xa: {  	[smem:$0x3F91] =	sst s2  }
0xb: {  	[smem:$0x3F92] =	sst s3  }
0xc: {  	[smem:$0x3F93] =	sst s4  }
0xd: {  	[smem:$0x3F94] =	sst s5  }
0xe: {  	[smem:$0x3F95] =	sst s6  }
0xf: {  	[smem:$0x3F96] =	sst s7  }
0x10: {  	[smem:$0x3F97] =	sst s8  }
0x11: {  	[smem:$0x3F98] =	sst s9;
	s0 =	simm.s32 @!p0 $0x0  }
0x12: {  	s1 =	sld [smem:$0x3F7E];
	s0 =	simm.s32 @p0 $0x1  }
0x13: {  	[smem:$0x3F99] =	sst s0;
	s0 =	simm.s32 @!p1 $0x0  }
0x14: {  	s2 =	sld [smem:$0x3F7D];
	s0 =	simm.s32 @p1 $0x1  }
0x15: {  	[smem:$0x3F9A] =	sst s0;
	s0 =	simm.s32 @!p2 $0x0  }
0x16: {  	s3 =	sld [smem:$0x3FDB];
	s0 =	simm.s32 @p2 $0x1  }
0x17: {  	s4 =	simm.s32 $0x1BF5;
	[smem:$0x3F9C] =	sst s0  }
0x18: {  	s0 =	sld [smem:$0x3F7F];
	_ =	swait.ge [sflag:s4], $0x0  }
0x19: {  	s7 =	sld [smem:$0x3F80]  }
0x1a: {  	s8 =	sadd.s32 $0xFFFFE003, lr  }
0x1b: {  	s9 =	sadd.s32 $0xFFFFFEF7, lr;
	s5 =	simm.s32 $0xFFFFFFFF;
	p2 =	slt.u32 s8, $0xFFFFF086  }
0x1c: {  	p1 =	slt.u32 s9, $0xF7A;
	s5 =	simm.s32 @!p2 $0x0  }
0x1d: {  	s5 =	simm.s32 @p1 $0x1;
	p0 =	seq.s32 s7, s2  }
0x1e: {  	s7 =	smul.u32 @!p0 $0xF7A, s2;
	p2 =	seq.s32 @!p0 s5, $0x0  }
0x1f: {  	s9 =	smul.u32 $0xF7A, s1;
	s8 =	simm.s32 @!p0 $0x1BF5;
	p2 =	por !p2, p0  }
0x20: {  	[sflag:s8] =	ssyncset.s32 @!p0 $0xFFFFF086;
	s6 =	sadd.s32 @!p0 s3, s7;
	s7 =	simm.s32 @!p0 $0x108  }
0x21: {  	s3 =	sadd.s32 s3, s9;
	s6 =	sadd.s32 @!p0 $0x88, s6;
	s7 =	simm.s32 @p2 $0x1082  }
0x22: {  	[simem:s7], [sflag:s8] =	dma.local @!p0 [hbm:s6], $0xF7A  }
0x23: {  	s9 =	sor.u32 $0xD0000000, s2;
	s6 =	simm.s32 $0x108;
	_ =	swait.ge @!p0 [sflag:s8], $0x0  }
0x24: {  	s3 =	sadd.s32 $0x88, s3;
	s6 =	simm.s32 @!p1 $0x1082;
	[sflag:s4] =	ssyncset.s32 $0xFFFFF086  }
0x25: {  	[simem:s6], [sflag:s4] =	dma.local [hbm:s3], $0xF7A  }
0x26: {  	[smem:$0x3F80] =	sst s1;
	(tag) =	ssettag s2;
	_ =	strace s9  }
0x27: {  	s1 =	sld [smem:$0x3F90]  }
0x28: {  	s2 =	sld [smem:$0x3F91]  }
0x29: {  	s4 =	sld [smem:$0x3F93]  }
0x2a: {  	p0 =	seq.s32 s5, $0x0;
	s5 =	sld [smem:$0x3F94]  }
0x2b: {  	s6 =	sld [smem:$0x3F95]  }
0x2c: {  	s7 =	sld [smem:$0x3F96]  }
0x2d: {  	s3 =	simm.s32 $0x108;
	s8 =	sld [smem:$0x3F97]  }
0x2e: {  	s3 =	simm.s32 @!p0 $0x1082;
	s9 =	sld [smem:$0x3F98]  }
0x2f: {  	lr =	sadd.s32 s0, s3;
	s0 =	sld [smem:$0x3F8F]  }
0x30: {  	s3 =	sld [smem:$0x3F92]  }
0x31: {  	[smem:$0x3F9B] =	sst s10  }
0x32: {  	s10 =	sld [smem:$0x3F99];
	_ =	sdelay $0x3  }
0x33: {  	p0 =	seq.s32 s10, $0x1;
	s10 =	sld [smem:$0x3F9B];
	_ =	sdelay $0x3  }
0x34: {  	[smem:$0x3F9B] =	sst s10  }
0x35: {  	s10 =	sld [smem:$0x3F9A];
	_ =	sdelay $0x3  }
0x36: {  	p1 =	seq.s32 s10, $0x1;
	s10 =	sld [smem:$0x3F9B];
	_ =	sdelay $0x3  }
0x37: {  	[smem:$0x3F9B] =	sst s10  }
0x38: {  	s10 =	sld [smem:$0x3F9C]  }
0x39: {  	_ = 	snop;
	(pc) =	sbr.ind lr, $3  }
0x3a: {  	_ = 	snop  }
0x3b: {  	_ = 	snop  }
0x3c: {  	p2 =	seq.s32 s10, $0x1;
	s10 =	sld [smem:$0x3F9B]  }
0x3d: {  	_ =	shalt  }
0x3e: {  	_ =	shalt  }
0x3f: {  	_ =	shalt  }
0x40: {  	_ =	shalt  }
0x41: {  	_ =	shalt  }
0x42: {  	_ =	shalt  }
0x43: {  	_ =	shalt  }
0x44: {  	_ =	shalt  }
0x45: {  	_ =	shalt  }
0x46: {  	_ =	shalt  }
0x47: {  	_ =	shalt  }
0x48: {  	_ =	shalt  }
0x49: {  	_ =	shalt  }
0x4a: {  	_ =	shalt  }
0x4b: {  	_ =	shalt  }
0x4c: {  	_ =	shalt  }
0x4d: {  	_ =	shalt  }
0x4e: {  	_ =	shalt  }
0x4f: {  	_ =	shalt  }
0x50: {  	_ =	shalt  }
0x51: {  	_ =	shalt  }
0x52: {  	_ =	shalt  }
0x53: {  	_ =	shalt  }
0x54: {  	_ =	shalt  }
0x55: {  	_ =	shalt  }
0x56: {  	_ =	shalt  }
0x57: {  	_ =	shalt  }
0x58: {  	_ =	shalt  }
0x59: {  	_ =	shalt  }
0x5a: {  	_ =	shalt  }
0x5b: {  	_ =	shalt  }
0x5c: {  	_ =	shalt  }
0x5d: {  	_ =	shalt  }
0x5e: {  	_ =	shalt  }
0x5f: {  	_ =	shalt  }
0x60: {  	_ =	shalt  }
0x61: {  	_ =	shalt  }
0x62: {  	_ =	shalt  }
0x63: {  	_ =	shalt  }
0x64: {  	_ =	shalt  }
0x65: {  	_ =	shalt  }
0x66: {  	_ =	shalt  }
0x67: {  	_ =	shalt  }
0x68: {  	_ =	shalt  }
0x69: {  	_ =	shalt  }
0x6a: {  	_ =	shalt  }
0x6b: {  	_ =	shalt  }
0x6c: {  	_ =	shalt  }
0x6d: {  	_ =	shalt  }
0x6e: {  	_ =	shalt  }
0x6f: {  	_ =	shalt  }
0x70: {  	_ =	shalt  }
0x71: {  	_ =	shalt  }
0x72: {  	_ =	shalt  }
0x73: {  	_ =	shalt  }
0x74: {  	_ =	shalt  }
0x75: {  	_ =	shalt  }
0x76: {  	_ =	shalt  }
0x77: {  	_ =	shalt  }
0x78: {  	_ =	shalt  }
0x79: {  	_ =	shalt  }
0x7a: {  	_ =	shalt  }
0x7b: {  	_ =	shalt  }
0x7c: {  	_ =	shalt  }
0x7d: {  	_ =	shalt  }
0x7e: {  	_ =	shalt  }
0x7f: {  	_ =	shalt  }
0x80: {  	_ =	shalt  }
0x81: {  	_ =	shalt  }
0x82: {  	_ =	shalt  }
0x83: {  	_ =	shalt  }
0x84: {  	_ =	shalt  }
0x85: {  	_ =	shalt  }
0x86: {  	_ =	shalt  }
0x87: {  	_ =	shalt  }
.Lfunc_end0:
.L_simem_size_0:
called_computation.1_lowered:
.L_overlay_start_0:
0x88: {  	s2 =	sld [smem:$0x3FD9]  }
0x89: {  	s3 =	sld [smem:$0x3FFE];
	_ =	sdelay $0x1  }
0x8a: {  	s1 =	srdreg.scid  }
0x8b: {  	s0 =	sand.u32 $0x1, s1  }
0x8c: {  	s16 =	sshll.u32 s0, $0xA;
	s2 =	sadd.s32 s3, s2  }
0x8d: {  	s2 =	sadd.s32 s2, s16  }
0x8e: {  	[smem:$0x3FA7] =	sst s2  }
0x8f: {  	_ = 	snop  }
0x90: {  	(tm) =	ssettm $0x1  }
0x91: {  	s17 =	sld [smem:$0x3FFB];
	_ =	sdelay $0x3  }
0x92: {  	_ =	strace s17  }
0x93: {  	s2 =	sld [smem:$0x3FFC];
	_ =	sdelay $0x3  }
0x94: {  	_ =	strace s2  }
0x95: {  	s2 =	sld [smem:$0x3FFD];
	_ =	sdelay $0x3  }
0x96: {  	_ =	strace s2  }
0x97: {  	_ =	strace $0x8FFFFFFF  }
0x98: {  	s18 =	sld [smem:$0x3FDB];
	_ =	sdelay $0x1  }
0x99: {  	s19 =	simm.s32 $_scs_section_size  }
0x9a: {  	s4 =	simm.s32 $_size__tile_overlayer_lowered;
	s5 =	simm.s32 $_tile_overlayer_lowered  }
0x9b: {  	s22 =	simm.s32 $0x1BFF;
	s21 =	sshll.u32 s5, $0x1;
	s2 =	sadd.s32 s19, s18  }
0x9c: {  	s6 =	simm.s32 $0x0;
	s20 =	sshll.u32 s4, $0x1;
	s4 =	sadd.s32 s21, s2  }
0x9d: {  	[timem:s6], [sflag:s22] =	dma.local [hbm:s4], s20  }
0x9e: {  	_ =	swait.ge [sflag:s22], s20  }
0x9f: {  	s3 =	ssub.s32 $0x0, s20;
	[sflag:s22] =	ssyncset.done $0x0  }
0xa0: {  	[sflag:s22] =	ssyncadd.s32 s3;
	_ =	sdelay $0x1  }
0xa1: {  	s23 =	simm.s32 $0x1B8B  }
0xa2: {  	_ =	swait.ge [sflag:s23], $0x1  }
0xa3: {  	[sflag:s23] =	ssyncset.done $0x0  }
0xa4: {  	s25 =	simm.s32 $0x1B8E;
	s24 =	sld [smem:$0x3FFE];
	[sflag:s23] =	ssyncadd.s32 $0xFFFFFFFF  }
0xa5: {  	s26 =	simm.s32 $execute0_lowered;
	[smem:$0x3FD2] =	sst s25  }
0xa6: {  	s4 =	sshll.u32 s26, $0x1;
	_ =	strace $0x80000049;
	[dreg:$0x1] =	wrdreg $0xFFFFFFFF  }
0xa7: {  	s28 =	simm.s32 $_size_execute0_lowered;
	s2 =	sadd.s32 s2, s4;
	[dreg:$0x0] =	wrdreg $0x0  }
0xa8: {  	s4 =	sshll.u32 s28, $0x1;
	[dreg:$0x2] =	wrdreg s2  }
0xa9: {  	[dreg:$0x3] =	wrdreg s4  }
0xaa: {  	[dreg:$0x4] =	wrdreg $0xC0  }
0xab: {  	_ =	task [dreg:s6], $0x5FFFF  }
0xac: {  	[dreg:$0x1] =	wrdreg $0xFFFFFFFF  }
0xad: {  	[dreg:$0x0] =	wrdreg $0x60  }
0xae: {  	[dreg:$0x2] =	wrdreg s24  }
0xaf: {  	[dreg:$0x3] =	wrdreg $0xA8000  }
0xb0: {  	[dreg:$0x4] =	wrdreg $0x9  }
0xb1: {  	_ =	task.clear_ibuf [dreg:s6], $0x5FFFF;
	_ =	strace $0x90000049  }
0xb2: {  	s29 =	simm.s32 $0x9;
	_ =	strace $0x8000004B  }
0xb3: {  	_ =	swait.ge [sflag:s29], $0x1  }
0xb4: {  	[sflag:s29] =	ssyncadd.s32 $0xFFFFFFFF  }
0xb5: {  	_ =	strace $0x9000004B  }
0xb6: {  	_ =	sfence  }
0xb7: {  	s30 =	sld [smem:$0x0];
	_ =	sdelay $0x2  }
0xb8: {  	s31 =	sshll.u32 s1, $0xD;
	s1 =	sshrl.u32 s1, $0x2  }
0xb9: {  	s3 =	sand.u32 $0x4000, s31;
	s1 =	sadd.s32 s1, s30  }
0xba: {  	s0 =	sor.u32 s3, s0;
	s1 =	sshll.u32 s1, $0x11  }
0xbb: {  	s0 =	sor.u32 s1, s0  }
0xbc: {  	s0 =	sadd.s32 $0x8F2B, s0  }
0xbd: {  	[sflag:s0] =	ssyncadd.remote.s32 $0x1  }
0xbe: {  	_ =	sfence.sel $0xFFFF  }
0xbf: {  	[dreg:$0x0] =	wrdreg $0xFFFFFFFF;
	(pc) =	sbr.abs _section_cstart, $3  }
0xc0: {  	[dreg:$0x1] =	wrdreg $0xFFFFFFFF  }
0xc1: {  	_ =	task.clear_ibuf [dreg:s6], $0x2FFFF;
	_ =	strace $0x9FFFFFFF  }
0xc2: {  	(tm) =	ssettm $0x7FFFFFFF  }
0xc3: {  	_ =	shalt  }
tec
execute0_lowered:
.L_overlay_start_1:
0x0: {  	(tag) =	ssettag $0x1  }
0x1: {  	s4 =	rddreg [dreg:$0x0]  }
0x2: {  	s2 =	rddreg [dreg:$0x1]  }
0x3: {  	s0 =	rddreg [dreg:$0x2];
	s3 =	simm.s32 $0x0;
	s1 =	stileid.u32  }
0x4: {  	s7 =	srdreg.scid;
	s15 =	simm.s32 $0x8000;
	s16 =	simm.s32 $0x50  }
0x5: {  	s18 =	simm.s32 $0x0;
	[smem:$0x7FF] =	sst s3;
	s5 =	smul.u32 $0x4E200, s1  }
0x6: {  	s6 =	smul.u32 $0x3E80, s1;
	s8 =	sshll.u32 s1, $0xC;
	s14 =	sand.u32 $0x1, s7  }
0x7: {  	s28 =	smul.u32 $0x7D000, s1;
	p1 =	slt.u32 s1, $0xA;
	_ =	strace $0x8000004A  }
0x8: {  	s8 =	sadd.s32 s8, s4;
	s29 =	ssub.s32 $0x2, s14;
	p2 =	seq.s32 s14, $0x0  }
0x9: {  	p0 =	seq.s32 s14, $0x1;
	p4 =	sne.s32 s14, $0x0;
	s14 =	simm.s32 $0x1  }
0xa: {  	s11 =	sadd.s32 s5, s4;
	s9 =	sadd.s32 s6, s4;
	s30 =	sshrl.u32 s29, $0x1  }
0xb: {  	s31 =	sshrl.u32 s28, $0x2;
	s6 =	sadd.s32 $0xA5F200, s8;
	p2 =	por !p1, !p2  }
0xc: {  	p3 =	por !p1, !p0;
	s10 =	ssub.s32 s29, s30;
	s4 =	sadd.s32 s31, s2  }
.Ltmp0:
0xd: {  	s5 =	sadd.s32 $0x25600, s9;
	p1 =	por !p2, !p2;
	(pc) =	sbr.rel .LBB2_1-.Ltmp0, $4  }
0xe: {  	s7 =	sadd.s32 $0xA6F200, s9;
	p2 =	por !p3, !p3;
	s8 =	sadd.s32 $0xA96400, s9  }
0xf: {  	p3 =	sgt.u32 s1, $0x9;
	s9 =	smax.u32 s10, $0x1;
	s10 =	sadd.s32 $0xF51200, s11  }
0x10: {  	s11 =	sadd.s32 $0x1433200, s11;
	s12 =	sshll.u32 @!p3 s1, $0x6;
	s17 =	sshll.u32 @p1 s1, $0x6  }
0x11: {  	s13 =	sshrl.u32 @!p3 s4, $0x3;
	s12 =	sor.u32 @!p3 $0x1C01, s12;
	s17 =	sor.u32 @p1 $0x1C01, s17  }
.LBB2_8:
0x12: {  	[sflag:s14] =	ssyncadd.s32 $0xFFFFD800  }
.LBB2_9:
0x13: {  	[bflag:$0x0] =	sbarrier.arrive $0xFFFF;
	s19 =	sshrl.u32 @p1 s4, $0x3  }
0x14: {  	[hbm:s7], [sflag:s17] =	dma.local @p1 [spmem:s19], $0x3E80  }
0x15: {  	s19 =	simm.s32 @p1 $0x1  }
0x16: {  	s18 =	sadd.s32 $0x1, s18;
	_ =	swait.ge @p1 [sflag:s19], $0x3E80  }
0x17: {  	s20 =	sshll.u32 @p2 s1, $0x6;
	p5 =	sne.s32 s18, s9;
	[sflag:s19] =	ssyncset.done @p1 $0x0  }
0x18: {  	[sflag:s19] =	ssyncadd.s32 @p1 $0xFFFFC180;
	s19 =	sor.u32 @p2 $0x1C01, s20;
	s20 =	sshrl.u32 @p2 s4, $0x3  }
0x19: {  	[hbm:s8], [sflag:s19] =	dma.local @p2 [spmem:s20], $0x3E80  }
.Ltmp1:
0x1a: {  	_ = 	snop;
	(pc) =	sbr.rel @!p5 .LBB2_10-.Ltmp1, $4  }
0x1b: {  	s19 =	simm.s32 @p2 $0x1  }
0x1c: {  	_ =	swait.ge @p2 [sflag:s19], $0x3E80  }
0x1d: {  	[sflag:s19] =	ssyncset.done @p2 $0x0  }
0x1e: {  	[sflag:s19] =	ssyncadd.s32 @p2 $0xFFFFC180  }
.LBB2_1:
0x1f: {  	[spmem:s13], [sflag:s12] =	dma.local @!p3 [hbm:s5], $0x3E80  }
0x20: {  	s19 =	simm.s32 @!p3 $0x1  }
0x21: {  	_ =	swait.ge @!p3 [sflag:s19], $0x3E80  }
0x22: {  	[sflag:s19] =	ssyncset.done @!p3 $0x0  }
0x23: {  	[sflag:s19] =	ssyncadd.s32 @!p3 $0xFFFFC180  }
0x24: {  	[tilespmem:s3], [sflag:$0x1] =	stream.linear.gather [hbm4b:s6+s3], $0x7D00, $0x38;
	[tilespmem:$0x1E080] =	vst v63  }
.Ltmp2:
0x25: {  	_ =	swait.ge [sflag:s14], $0x7D00;
	(pc) =	sbr.rel @p4 .LBB2_5-.Ltmp2, $3  }
0x26: {  	[sflag:s14] =	ssyncset.done $0x0  }
0x27: {  	[sflag:s14] =	ssyncadd.s32 $0xFFFF8300  }
0x28: {  	[bflag:$0x0] =	sbarrier.arrive $0xFFFF;
	_ =	sdelay $0x1  }
0x29: {  	[tilespmem:s15], [sflag:$0x1] =	stream.linear.gather [hbm4b:s10+s3], $0x2800, $0x38;
	[tilespmem:$0x1E080] =	vst v63  }
0x2a: {  	_ =	swait.ge [sflag:s14], $0x2800  }
0x2b: {  	[sflag:s14] =	ssyncset.done $0x0  }
0x2c: {  	s19 =	simm.s32 $0x0;
	[sflag:s14] =	ssyncadd.s32 $0xFFFFD800  }
0x2d: {  	[spmem:s2] =	stream.indirect.scatter.add.f32 [tilespmem:s15], [sflag:$0x1], $0x80, s19, s16, $0xb8;
	[tilespmem:$0x1E080] =	vst v63  }
0x2e: {  	_ =	swait.ge [sflag:s14], $0x2800  }
0x2f: {  	s20 =	smov.u32 s10;
	s19 =	simm.s32 $0x200;
	[sflag:s14] =	ssyncset.done $0x0  }
.LBB2_3:
0x30: {  	p5 =	sne.s32 s19, $0x1F200;
	[sflag:s14] =	ssyncadd.s32 $0xFFFFD800;
	s20 =	sadd.s32 $0x500, s20  }
0x31: {  	[tilespmem:s15], [sflag:$0x1] =	stream.linear.gather [hbm4b:s20+s3], $0x2800, $0x38;
	[tilespmem:$0x1E080] =	vst v63  }
0x32: {  	s21 =	smov.u32 s19;
	s19 =	sadd.s32 $0x200, s19;
	_ =	swait.ge [sflag:s14], $0x2800  }
.Ltmp3:
0x33: {  	[sflag:s14] =	ssyncset.done $0x0;
	(pc) =	sbr.rel @p5 .LBB2_3-.Ltmp3, $4  }
0x34: {  	s21 =	sshra.s32 s21, $0x2;
	[sflag:s14] =	ssyncadd.s32 $0xFFFFD800  }
0x35: {  	[spmem:s2] =	stream.indirect.scatter.add.f32 [tilespmem:s15], [sflag:$0x1], $0x80, s21, s16, $0xb8;
	[tilespmem:$0x1E080] =	vst v63  }
0x36: {  	_ =	swait.ge [sflag:s14], $0x2800  }
0x37: {  	[sflag:s14] =	ssyncset.done $0x0  }
0x38: {  	[sflag:s14] =	ssyncadd.s32 $0xFFFFD800  }
.LBB2_5:
.Ltmp4:
0x39: {  	(pc) =	sbr.rel @!p0 .LBB2_9-.Ltmp4, $1  }
0x3a: {  	_ =	sdelay $0x3  }
0x3b: {  	[tilespmem:s15], [sflag:$0x1] =	stream.linear.gather [hbm4b:s11+s3], $0x2800, $0x38;
	[tilespmem:$0x1E080] =	vst v63  }
0x3c: {  	_ =	swait.ge [sflag:s14], $0x2800  }
0x3d: {  	[sflag:s14] =	ssyncset.done $0x0  }
0x3e: {  	s19 =	simm.s32 $0x0;
	[sflag:s14] =	ssyncadd.s32 $0xFFFFD800  }
0x3f: {  	[spmem:s2] =	stream.indirect.scatter.add.f32 [tilespmem:s15], [sflag:$0x1], $0x80, s19, s16, $0xb8;
	[tilespmem:$0x1E080] =	vst v63  }
0x40: {  	_ =	swait.ge [sflag:s14], $0x2800  }
0x41: {  	s20 =	smov.u32 s11;
	s19 =	simm.s32 $0x200;
	[sflag:s14] =	ssyncset.done $0x0  }
.LBB2_7:
0x42: {  	p5 =	sne.s32 s19, $0x1F200;
	[sflag:s14] =	ssyncadd.s32 $0xFFFFD800;
	s20 =	sadd.s32 $0x500, s20  }
0x43: {  	[tilespmem:s15], [sflag:$0x1] =	stream.linear.gather [hbm4b:s20+s3], $0x2800, $0x38;
	[tilespmem:$0x1E080] =	vst v63  }
0x44: {  	s21 =	smov.u32 s19;
	s19 =	sadd.s32 $0x200, s19;
	_ =	swait.ge [sflag:s14], $0x2800  }
.Ltmp5:
0x45: {  	[sflag:s14] =	ssyncset.done $0x0;
	(pc) =	sbr.rel @p5 .LBB2_7-.Ltmp5, $4  }
0x46: {  	s21 =	sshra.s32 s21, $0x2;
	[sflag:s14] =	ssyncadd.s32 $0xFFFFD800  }
0x47: {  	[spmem:s2] =	stream.indirect.scatter.add.f32 [tilespmem:s15], [sflag:$0x1], $0x80, s21, s16, $0xb8;
	[tilespmem:$0x1E080] =	vst v63  }
0x48: {  	_ =	swait.ge [sflag:s14], $0x2800  }
0x49: {  	[sflag:s14] =	ssyncset.done $0x0  }
.Ltmp6:
0x4a: {  	_ = 	snop;
	(pc) =	sbr.rel .LBB2_8-.Ltmp6, $1  }
0x4b: {  	_ =	sdelay $0x3  }
.LBB2_10:
0x4c: {  	_ =	sfence.sel $0x180000  }
0x4d: {  	[bflag:$0x0] =	sbarrier.arrive $0xFFFF  }
0x4e: {  	p0 =	sne.s32 s1, $0x0;
	_ =	strace $0x9000004A  }
0x4f: {  	s0 =	sadd.s32 @!p0 $0x100000, s0;
	[bflag:$0x2] =	sbarrier.arrive $0xFFFF  }
0x50: {  	[sflag:s0] =	ssyncadd.tile.s32 @!p0 $0x1;
	_ =	shalt  }
.Lfunc_end2:
_tile_overlayer_lowered:
.L_overlay_start_2:
0x51: {  	(tag) =	ssettag $0x2  }
0x52: {  	s0 =	rddreg [dreg:$0x0];
	s2 =	stileid.u32  }
0x53: {  	s1 =	rddreg [dreg:$0x1];
	p0 =	sne.s32 s2, $0x0  }
0x54: {  	s3 =	rddreg [dreg:$0x2];
	[bflag:$0x3] =	sbarrier.arrive $0xFFFF;
	s2 =	simm.s32 @!p0 $0x1C01  }
0x55: {  	[timem:s3], [sflag:s2] =	dma.local @!p0 [hbm:s0], s1  }
0x56: {  	s0 =	simm.s32 @!p0 $0x1  }
0x57: {  	_ =	swait.ge @!p0 [sflag:s0], s1  }
0x58: {  	s1 =	ssub.s32 @!p0 $0x0, s1;
	[sflag:s0] =	ssyncset.done @!p0 $0x0  }
0x59: {  	[sflag:s0] =	ssyncadd.s32 @!p0 s1  }
0x5a: {  	[bflag:$0x3] =	sbarrier.arrive $0xFFFF  }
0x5b: {  	_ =	shalt  }

// kernel: kernel.7.cloned.1.call-start
scs
__scs_entry_jumppad:
0x0: {  	(pc) =	sbr.rel $0x88, $3  }
0x1: {  	(tag) =	ssettag $0x0;
	lr =	simm.s32 $0x1  }
0x2: {  	[smem:$0x3F80] =	sst lr;
	_ =	strace $0xD0000000  }
0x3: {  	_ = 	snop  }
0x4: {  	_ = 	snop  }
0x5: {  	_ = 	snop  }
0x6: {  	_ = 	snop  }
0x7: {  	_ = 	snop  }
__scs_overlays_trampoline_lowered:
0x8: {  	[smem:$0x3F8F] =	sst s0  }
0x9: {  	[smem:$0x3F90] =	sst s1  }
0xa: {  	[smem:$0x3F91] =	sst s2  }
0xb: {  	[smem:$0x3F92] =	sst s3  }
0xc: {  	[smem:$0x3F93] =	sst s4  }
0xd: {  	[smem:$0x3F94] =	sst s5  }
0xe: {  	[smem:$0x3F95] =	sst s6  }
0xf: {  	[smem:$0x3F96] =	sst s7  }
0x10: {  	[smem:$0x3F97] =	sst s8  }
0x11: {  	[smem:$0x3F98] =	sst s9;
	s0 =	simm.s32 @!p0 $0x0  }
0x12: {  	s1 =	sld [smem:$0x3F7E];
	s0 =	simm.s32 @p0 $0x1  }
0x13: {  	[smem:$0x3F99] =	sst s0;
	s0 =	simm.s32 @!p1 $0x0  }
0x14: {  	s2 =	sld [smem:$0x3F7D];
	s0 =	simm.s32 @p1 $0x1  }
0x15: {  	[smem:$0x3F9A] =	sst s0;
	s0 =	simm.s32 @!p2 $0x0  }
0x16: {  	s3 =	sld [smem:$0x3FDB];
	s0 =	simm.s32 @p2 $0x1  }
0x17: {  	s4 =	simm.s32 $0x1BF5;
	[smem:$0x3F9C] =	sst s0  }
0x18: {  	s0 =	sld [smem:$0x3F7F];
	_ =	swait.ge [sflag:s4], $0x0  }
0x19: {  	s7 =	sld [smem:$0x3F80]  }
0x1a: {  	s8 =	sadd.s32 $0xFFFFE003, lr  }
0x1b: {  	s9 =	sadd.s32 $0xFFFFFEF7, lr;
	s5 =	simm.s32 $0xFFFFFFFF;
	p2 =	slt.u32 s8, $0xFFFFF086  }
0x1c: {  	p1 =	slt.u32 s9, $0xF7A;
	s5 =	simm.s32 @!p2 $0x0  }
0x1d: {  	s5 =	simm.s32 @p1 $0x1;
	p0 =	seq.s32 s7, s2  }
0x1e: {  	s7 =	smul.u32 @!p0 $0xF7A, s2;
	p2 =	seq.s32 @!p0 s5, $0x0  }
0x1f: {  	s9 =	smul.u32 $0xF7A, s1;
	s8 =	simm.s32 @!p0 $0x1BF5;
	p2 =	por !p2, p0  }
0x20: {  	[sflag:s8] =	ssyncset.s32 @!p0 $0xFFFFF086;
	s6 =	sadd.s32 @!p0 s3, s7;
	s7 =	simm.s32 @!p0 $0x108  }
0x21: {  	s3 =	sadd.s32 s3, s9;
	s6 =	sadd.s32 @!p0 $0x88, s6;
	s7 =	simm.s32 @p2 $0x1082  }
0x22: {  	[simem:s7], [sflag:s8] =	dma.local @!p0 [hbm:s6], $0xF7A  }
0x23: {  	s9 =	sor.u32 $0xD0000000, s2;
	s6 =	simm.s32 $0x108;
	_ =	swait.ge @!p0 [sflag:s8], $0x0  }
0x24: {  	s3 =	sadd.s32 $0x88, s3;
	s6 =	simm.s32 @!p1 $0x1082;
	[sflag:s4] =	ssyncset.s32 $0xFFFFF086  }
0x25: {  	[simem:s6], [sflag:s4] =	dma.local [hbm:s3], $0xF7A  }
0x26: {  	[smem:$0x3F80] =	sst s1;
	(tag) =	ssettag s2;
	_ =	strace s9  }
0x27: {  	s1 =	sld [smem:$0x3F90]  }
0x28: {  	s2 =	sld [smem:$0x3F91]  }
0x29: {  	s4 =	sld [smem:$0x3F93]  }
0x2a: {  	p0 =	seq.s32 s5, $0x0;
	s5 =	sld [smem:$0x3F94]  }
0x2b: {  	s6 =	sld [smem:$0x3F95]  }
0x2c: {  	s7 =	sld [smem:$0x3F96]  }
0x2d: {  	s3 =	simm.s32 $0x108;
	s8 =	sld [smem:$0x3F97]  }
0x2e: {  	s3 =	simm.s32 @!p0 $0x1082;
	s9 =	sld [smem:$0x3F98]  }
0x2f: {  	lr =	sadd.s32 s0, s3;
	s0 =	sld [smem:$0x3F8F]  }
0x30: {  	s3 =	sld [smem:$0x3F92]  }
0x31: {  	[smem:$0x3F9B] =	sst s10  }
0x32: {  	s10 =	sld [smem:$0x3F99];
	_ =	sdelay $0x3  }
0x33: {  	p0 =	seq.s32 s10, $0x1;
	s10 =	sld [smem:$0x3F9B];
	_ =	sdelay $0x3  }
0x34: {  	[smem:$0x3F9B] =	sst s10  }
0x35: {  	s10 =	sld [smem:$0x3F9A];
	_ =	sdelay $0x3  }
0x36: {  	p1 =	seq.s32 s10, $0x1;
	s10 =	sld [smem:$0x3F9B];
	_ =	sdelay $0x3  }
0x37: {  	[smem:$0x3F9B] =	sst s10  }
0x38: {  	s10 =	sld [smem:$0x3F9C]  }
0x39: {  	_ = 	snop;
	(pc) =	sbr.ind lr, $3  }
0x3a: {  	_ = 	snop  }
0x3b: {  	_ = 	snop  }
0x3c: {  	p2 =	seq.s32 s10, $0x1;
	s10 =	sld [smem:$0x3F9B]  }
0x3d: {  	_ =	shalt  }
0x3e: {  	_ =	shalt  }
0x3f: {  	_ =	shalt  }
0x40: {  	_ =	shalt  }
0x41: {  	_ =	shalt  }
0x42: {  	_ =	shalt  }
0x43: {  	_ =	shalt  }
0x44: {  	_ =	shalt  }
0x45: {  	_ =	shalt  }
0x46: {  	_ =	shalt  }
0x47: {  	_ =	shalt  }
0x48: {  	_ =	shalt  }
0x49: {  	_ =	shalt  }
0x4a: {  	_ =	shalt  }
0x4b: {  	_ =	shalt  }
0x4c: {  	_ =	shalt  }
0x4d: {  	_ =	shalt  }
0x4e: {  	_ =	shalt  }
0x4f: {  	_ =	shalt  }
0x50: {  	_ =	shalt  }
0x51: {  	_ =	shalt  }
0x52: {  	_ =	shalt  }
0x53: {  	_ =	shalt  }
0x54: {  	_ =	shalt  }
0x55: {  	_ =	shalt  }
0x56: {  	_ =	shalt  }
0x57: {  	_ =	shalt  }
0x58: {  	_ =	shalt  }
0x59: {  	_ =	shalt  }
0x5a: {  	_ =	shalt  }
0x5b: {  	_ =	shalt  }
0x5c: {  	_ =	shalt  }
0x5d: {  	_ =	shalt  }
0x5e: {  	_ =	shalt  }
0x5f: {  	_ =	shalt  }
0x60: {  	_ =	shalt  }
0x61: {  	_ =	shalt  }
0x62: {  	_ =	shalt  }
0x63: {  	_ =	shalt  }
0x64: {  	_ =	shalt  }
0x65: {  	_ =	shalt  }
0x66: {  	_ =	shalt  }
0x67: {  	_ =	shalt  }
0x68: {  	_ =	shalt  }
0x69: {  	_ =	shalt  }
0x6a: {  	_ =	shalt  }
0x6b: {  	_ =	shalt  }
0x6c: {  	_ =	shalt  }
0x6d: {  	_ =	shalt  }
0x6e: {  	_ =	shalt  }
0x6f: {  	_ =	shalt  }
0x70: {  	_ =	shalt  }
0x71: {  	_ =	shalt  }
0x72: {  	_ =	shalt  }
0x73: {  	_ =	shalt  }
0x74: {  	_ =	shalt  }
0x75: {  	_ =	shalt  }
0x76: {  	_ =	shalt  }
0x77: {  	_ =	shalt  }
0x78: {  	_ =	shalt  }
0x79: {  	_ =	shalt  }
0x7a: {  	_ =	shalt  }
0x7b: {  	_ =	shalt  }
0x7c: {  	_ =	shalt  }
0x7d: {  	_ =	shalt  }
0x7e: {  	_ =	shalt  }
0x7f: {  	_ =	shalt  }
0x80: {  	_ =	shalt  }
0x81: {  	_ =	shalt  }
0x82: {  	_ =	shalt  }
0x83: {  	_ =	shalt  }
0x84: {  	_ =	shalt  }
0x85: {  	_ =	shalt  }
0x86: {  	_ =	shalt  }
0x87: {  	_ =	shalt  }
.Lfunc_end0:
.L_simem_size_0:
called_computation_lowered:
.L_overlay_start_0:
0x88: {  	s2 =	sld [smem:$0x3FD9]  }
0x89: {  	s3 =	sld [smem:$0x3FFE];
	_ =	sdelay $0x1  }
0x8a: {  	s1 =	srdreg.scid  }
0x8b: {  	s0 =	sand.u32 $0x1, s1  }
0x8c: {  	s17 =	sshll.u32 s0, $0xA;
	s2 =	sadd.s32 s3, s2  }
0x8d: {  	s2 =	sadd.s32 s2, s17  }
0x8e: {  	[smem:$0x3FA7] =	sst s2  }
0x8f: {  	_ = 	snop  }
0x90: {  	s2 =	sld [smem:$0x3FD0];
	(tm) =	ssettm $0x1  }
0x91: {  	s18 =	sld [smem:$0x3FFB];
	_ =	sdelay $0x3  }
0x92: {  	_ =	strace s18  }
0x93: {  	s3 =	sld [smem:$0x3FFC];
	_ =	sdelay $0x3  }
0x94: {  	_ =	strace s3  }
0x95: {  	s3 =	sld [smem:$0x3FFD];
	_ =	sdelay $0x3  }
0x96: {  	_ =	strace s3  }
0x97: {  	_ =	strace $0x8FFFFFFF  }
0x98: {  	s19 =	sld [smem:$0x3FDB];
	_ =	sdelay $0x1  }
0x99: {  	s4 =	simm.s32 $_scs_section_size  }
0x9a: {  	s5 =	simm.s32 $_size__tile_overlayer_lowered;
	s6 =	simm.s32 $_tile_overlayer_lowered  }
0x9b: {  	s22 =	simm.s32 $0x1BFF;
	s21 =	sshll.u32 s6, $0x1;
	s3 =	sadd.s32 s4, s19  }
0x9c: {  	s7 =	simm.s32 $0x0;
	s20 =	sshll.u32 s5, $0x1;
	s5 =	sadd.s32 s21, s3  }
0x9d: {  	[timem:s7], [sflag:s22] =	dma.local [hbm:s5], s20  }
0x9e: {  	_ =	swait.ge [sflag:s22], s20  }
0x9f: {  	s4 =	ssub.s32 $0x0, s20;
	[sflag:s22] =	ssyncset.done $0x0  }
0xa0: {  	[sflag:s22] =	ssyncadd.s32 s4;
	_ =	sdelay $0x1  }
0xa1: {  	s23 =	simm.s32 $0x1B8B  }
0xa2: {  	_ =	swait.ge [sflag:s23], $0x1  }
0xa3: {  	[sflag:s23] =	ssyncset.done $0x0  }
0xa4: {  	s25 =	simm.s32 $0x1B8E;
	s24 =	sld [smem:$0x3FFE];
	[sflag:s23] =	ssyncadd.s32 $0xFFFFFFFF  }
0xa5: {  	s26 =	simm.s32 $execute0_lowered;
	[smem:$0x3FD2] =	sst s25  }
0xa6: {  	s5 =	sshll.u32 s26, $0x1;
	_ =	strace $0x80000046;
	[dreg:$0x1] =	wrdreg $0xFFFFFFFF  }
0xa7: {  	s28 =	simm.s32 $_size_execute0_lowered;
	s3 =	sadd.s32 s3, s5;
	[dreg:$0x0] =	wrdreg $0x0  }
0xa8: {  	s5 =	sshll.u32 s28, $0x1;
	[dreg:$0x2] =	wrdreg s3  }
0xa9: {  	[dreg:$0x3] =	wrdreg s5  }
0xaa: {  	[dreg:$0x4] =	wrdreg $0xC0  }
0xab: {  	_ =	task [dreg:s7], $0x5FFFF  }
0xac: {  	[dreg:$0x1] =	wrdreg $0xFFFFFFFF  }
0xad: {  	[dreg:$0x0] =	wrdreg $0x60  }
0xae: {  	[dreg:$0x2] =	wrdreg s2  }
0xaf: {  	[dreg:$0x3] =	wrdreg s24  }
0xb0: {  	[dreg:$0x4] =	wrdreg $0xB8000  }
0xb1: {  	[dreg:$0x5] =	wrdreg $0x9  }
0xb2: {  	_ =	task.clear_ibuf [dreg:s7], $0x6FFFF;
	_ =	strace $0x90000046  }
0xb3: {  	s29 =	simm.s32 $0x9;
	_ =	strace $0x80000048  }
0xb4: {  	_ =	swait.ge [sflag:s29], $0x1  }
0xb5: {  	[sflag:s29] =	ssyncadd.s32 $0xFFFFFFFF  }
0xb6: {  	_ =	strace $0x90000048  }
0xb7: {  	_ =	sfence  }
0xb8: {  	s30 =	sld [smem:$0x0];
	_ =	sdelay $0x2  }
0xb9: {  	s31 =	sshll.u32 s1, $0xD;
	s1 =	sshrl.u32 s1, $0x2  }
0xba: {  	s3 =	sand.u32 $0x4000, s31;
	s1 =	sadd.s32 s1, s30  }
0xbb: {  	s0 =	sor.u32 s3, s0;
	s1 =	sshll.u32 s1, $0x11  }
0xbc: {  	s0 =	sor.u32 s1, s0  }
0xbd: {  	s0 =	sadd.s32 $0x8F2B, s0  }
0xbe: {  	[sflag:s0] =	ssyncadd.remote.s32 $0x1  }
0xbf: {  	_ =	sfence.sel $0xFFFF  }
0xc0: {  	[dreg:$0x0] =	wrdreg $0xFFFFFFFF;
	(pc) =	sbr.abs _section_cstart, $3  }
0xc1: {  	[dreg:$0x1] =	wrdreg $0xFFFFFFFF  }
0xc2: {  	_ =	task.clear_ibuf [dreg:s7], $0x2FFFF;
	_ =	strace $0x9FFFFFFF  }
0xc3: {  	(tm) =	ssettm $0x7FFFFFFF  }
tec
execute0_lowered:
.L_overlay_start_1:
0x0: {  	(tag) =	ssettag $0x1  }
0x1: {  	s1 =	rddreg [dreg:$0x0]  }
0x2: {  	s2 =	rddreg [dreg:$0x1]  }
0x3: {  	s4 =	srdreg.scid;
	s0 =	stileid.u32  }
0x4: {  	s3 =	rddreg [dreg:$0x2];
	s28 =	simm.s32 $0x3;
	s29 =	simm.s32 $0x2  }
0x5: {  	s30 =	simm.s32 $0x4;
	s31 =	simm.s32 $0x5;
	s5 =	sand.u32 $0x1, s4  }
0x6: {  	s6 =	sshll.u32 s0, $0x1;
	s4 =	simm.s32 $0x0;
	s8 =	smul.u32 $0x3E80, s0  }
0x7: {  	s9 =	smul.u32 $0x7D000, s0;
	s10 =	sadd.s32 $0x4C800, s2;
	s13 =	sadd.s32 $0x4CE00, s2  }
0x8: {  	p1 =	slt.u32 s0, $0xA;
	s26 =	smul.u32 $0x9C400, s0;
	s6 =	sor.u32 s5, s6  }
0x9: {  	[smem:$0x7FF] =	sst s4;
	s19 =	ssub.s32 $0x2, s5;
	p0 =	seq.s32 s5, $0x0  }
0xa: {  	p2 =	seq.s32 s5, $0x1;
	s5 =	smul.u32 $0x4E200, s5;
	s7 =	sshll.u32 s6, $0xB  }
0xb: {  	_ =	strace $0x80000047;
	[dreg:$0x4] =	wrdreg s10;
	s6 =	smul.u32 $0x271000, s6  }
0xc: {  	s20 =	sshrl.u32 s19, $0x1;
	s21 =	sshrl.u32 s9, $0x2;
	p0 =	por !p1, !p0  }
0xd: {  	p1 =	por !p1, !p2;
	p2 =	sgt.u32 s0, $0x9;
	s7 =	sadd.s32 s7, s2  }
0xe: {  	s2 =	sadd.s32 s8, s2;
	s15 =	ssub.s32 s19, s20;
	p0 =	por !p0, !p0  }
0xf: {  	p1 =	por !p1, !p1;
	s19 =	simm.s32 $0x9000;
	s20 =	simm.s32 $0x6  }
0x10: {  	s22 =	sshrl.u32 s6, $0x3;
	s6 =	sadd.s32 s21, s3;
	s23 =	sadd.s32 $0x25600, s2  }
0x11: {  	s24 =	sadd.s32 $0x15600, s7;
	s10 =	sadd.s32 $0x5600, s7;
	s12 =	sadd.s32 $0xA10E00, s2  }
0x12: {  	s7 =	sadd.s32 s26, s13;
	s15 =	smax.u32 s15, $0x1;
	s21 =	simm.s32 $0x50  }
0x13: {  	s26 =	simm.s32 $0x6800;
	s11 =	sadd.s32 s13, s22;
	[dreg:$0x5] =	wrdreg s23  }
0x14: {  	[dreg:$0x6] =	wrdreg s24;
	s13 =	sadd.s32 $0xA38000, s2;
	s14 =	sadd.s32 s5, s7  }
0x15: {  	s2 =	sshll.u32 @!p2 s0, $0x6;
	s18 =	sshrl.u32 @!p2 s6, $0x3;
	s22 =	simm.s32 $0x4000  }
0x16: {  	s23 =	simm.s32 $0x1;
	s24 =	simm.s32 $0x400;
	s25 =	sadd.s32 $0x4D800, s11  }
0x17: {  	s11 =	sadd.s32 $0x4D880, s11;
	s16 =	sadd.s32 $0xA80, s14;
	s17 =	sor.u32 @!p2 $0x1C06, s2  }
0x18: {  	s2 =	simm.s32 $0x0;
	[dreg:$0x7] =	wrdreg s25;
	s25 =	simm.s32 $0x800  }
.LBB2_1:
0x19: {  	s5 =	rddreg [dreg:$0x5]  }
0x1a: {  	[spmem:s18], [sflag:s17] =	dma.local @!p2 [hbm:s5], $0x3E80  }
0x1b: {  	s5 =	simm.s32 @!p2 $0x6  }
0x1c: {  	_ =	swait.ge @!p2 [sflag:s5], $0x3E80  }
0x1d: {  	[sflag:s5] =	ssyncset.done @!p2 $0x0  }
0x1e: {  	s7 =	rddreg [dreg:$0x4];
	[sflag:s5] =	ssyncadd.s32 @!p2 $0xFFFFC180  }
0x1f: {  	[tilespmem:s19], [sflag:$0x6] =	stream.linear.gather [hbm4b:s7+s4], $0x2800, $0x38;
	[tilespmem:$0x1F080] =	vst v63  }
0x20: {  	_ =	swait.ge [sflag:s20], $0x2800  }
0x21: {  	[sflag:s20] =	ssyncset.done $0x0  }
0x22: {  	[sflag:s20] =	ssyncadd.s32 $0xFFFFD800  }
0x23: {  	[bflag:$0x0] =	sbarrier.arrive $0xFFFF  }
0x24: {  	s8 =	rddreg [dreg:$0x6]  }
0x25: {  	[tilespmem:s4], [sflag:$0x6] =	stream.linear.gather [hbm4b:s8+s4], $0x3E80, $0x38;
	[tilespmem:$0x1F080] =	vst v63  }
0x26: {  	_ =	swait.ge [sflag:s20], $0x3E80  }
0x27: {  	[sflag:s20] =	ssyncset.done $0x0  }
0x28: {  	[sflag:s20] =	ssyncadd.s32 $0xFFFFC180  }
0x29: {  	[tilespmem:s22], [sflag:$0x1] =	stream.indirect.gather [hbm4b:s1+s21], $0x80, s4, s21, $0xb8;
	[tilespmem:$0x1F080] =	vst v63  }
0x2a: {  	_ =	swait.ge [sflag:s23], $0x2800  }
0x2b: {  	[sflag:s23] =	ssyncset.done $0x0  }
0x2c: {  	s7 =	sadd.s32 $0x0, s14;
	[sflag:s23] =	ssyncadd.s32 $0xFFFFD800  }
0x2d: {  	[hbm4b:s7+s24] =	stream.strided.scatter [tilespmem:s22], [sflag:$0x3], $0x2800, s25, s24, $0x38;
	[tilespmem:$0x1F080] =	vst v63  }
0x2e: {  	s9 =	simm.s32 $0x80  }
0x2f: {  	[tilespmem:s26], [sflag:$0x2] =	stream.indirect.gather [hbm4b:s1+s21], $0x80, s9, s21, $0xb8;
	[tilespmem:$0x1F080] =	vst v63  }
0x30: {  	_ =	swait.ge [sflag:s28], $0x2800  }
0x31: {  	[sflag:s28] =	ssyncset.done $0x0  }
0x32: {  	[sflag:s28] =	ssyncadd.s32 $0xFFFFD800  }
0x33: {  	_ =	swait.ge [sflag:s29], $0x2800  }
0x34: {  	[sflag:s29] =	ssyncset.done $0x0  }
0x35: {  	s5 =	simm.s32 $0x100;
	[sflag:s29] =	ssyncadd.s32 $0xFFFFD800  }
0x36: {  	[tilespmem:s22], [sflag:$0x1] =	stream.indirect.gather [hbm4b:s1+s21], $0x80, s5, s21, $0xb8;
	[tilespmem:$0x1F080] =	vst v63  }
0x37: {  	s7 =	sadd.s32 $0xA00, s7  }
0x38: {  	[hbm4b:s7+s24] =	stream.strided.scatter [tilespmem:s26], [sflag:$0x4], $0x2800, s25, s24, $0x38;
	[tilespmem:$0x1F080] =	vst v63  }
0x39: {  	_ =	swait.ge [sflag:s30], $0x2800  }
0x3a: {  	s7 =	simm.s32 $0x1400;
	[sflag:s30] =	ssyncset.done $0x0  }
.LBB2_2:
0x3b: {  	p3 =	sne.s32 s7, $0x4C400;
	[sflag:s30] =	ssyncadd.s32 $0xFFFFD800;
	s5 =	sadd.s32 $0x100, s5  }
0x3c: {  	s8 =	smov.u32 s7;
	s7 =	sadd.s32 $0x1400, s7  }
0x3d: {  	_ =	swait.ge [sflag:s23], $0x2800  }
0x3e: {  	[sflag:s23] =	ssyncset.done $0x0  }
0x3f: {  	s8 =	sadd.s32 s8, s14;
	[sflag:s23] =	ssyncadd.s32 $0xFFFFD800  }
0x40: {  	[hbm4b:s8+s24] =	stream.strided.scatter [tilespmem:s22], [sflag:$0x3], $0x2800, s25, s24, $0x38;
	[tilespmem:$0x1F080] =	vst v63  }
0x41: {  	s9 =	sadd.s32 $0xFFFFFF80, s5  }
0x42: {  	[tilespmem:s26], [sflag:$0x2] =	stream.indirect.gather [hbm4b:s1+s21], $0x80, s9, s21, $0xb8;
	[tilespmem:$0x1F080] =	vst v63  }
0x43: {  	_ =	swait.ge [sflag:s28], $0x2800  }
0x44: {  	[sflag:s28] =	ssyncset.done $0x0  }
0x45: {  	[sflag:s28] =	ssyncadd.s32 $0xFFFFD800  }
0x46: {  	_ =	swait.ge [sflag:s29], $0x2800  }
0x47: {  	[sflag:s29] =	ssyncset.done $0x0  }
0x48: {  	[sflag:s29] =	ssyncadd.s32 $0xFFFFD800  }
0x49: {  	[tilespmem:s22], [sflag:$0x1] =	stream.indirect.gather [hbm4b:s1+s21], $0x80, s5, s21, $0xb8;
	[tilespmem:$0x1F080] =	vst v63  }
.Ltmp0:
0x4a: {  	_ = 	snop;
	(pc) =	sbr.rel @p3 .LBB2_2-.Ltmp0, $4  }
0x4b: {  	s8 =	sadd.s32 $0xA00, s8  }
0x4c: {  	[hbm4b:s8+s24] =	stream.strided.scatter [tilespmem:s26], [sflag:$0x4], $0x2800, s25, s24, $0x38;
	[tilespmem:$0x1F080] =	vst v63  }
0x4d: {  	_ =	swait.ge [sflag:s30], $0x2800  }
0x4e: {  	[sflag:s30] =	ssyncset.done $0x0  }
0x4f: {  	[sflag:s30] =	ssyncadd.s32 $0xFFFFD800  }
0x50: {  	_ =	swait.ge [sflag:s23], $0x2800  }
0x51: {  	[sflag:s23] =	ssyncset.done $0x0  }
0x52: {  	s5 =	rddreg [dreg:$0x7];
	[sflag:s23] =	ssyncadd.s32 $0xFFFFD800  }
0x53: {  	[hbm4b:s5+s24] =	stream.strided.scatter [tilespmem:s22], [sflag:$0x3], $0x2800, s25, s24, $0x38;
	[tilespmem:$0x1F080] =	vst v63  }
0x54: {  	_ =	swait.ge [sflag:s28], $0x2800  }
0x55: {  	[sflag:s28] =	ssyncset.done $0x0  }
0x56: {  	s9 =	simm.s32 $0x0;
	[sflag:s28] =	ssyncadd.s32 $0xFFFFD800  }
0x57: {  	[tilespmem:s9], [sflag:$0x6] =	stream.linear.gather [hbm4b:s10+s9], $0x3E80, $0x38;
	[tilespmem:$0x1F080] =	vst v63  }
0x58: {  	_ =	swait.ge [sflag:s20], $0x3E80  }
0x59: {  	[sflag:s20] =	ssyncset.done $0x0  }
0x5a: {  	[sflag:s20] =	ssyncadd.s32 $0xFFFFC180  }
0x5b: {  	[tilespmem:s22], [sflag:$0x1] =	stream.indirect.gather [hbm4b:s1+s21], $0x80, s9, s21, $0xb8;
	[tilespmem:$0x1F080] =	vst v63  }
0x5c: {  	_ =	swait.ge [sflag:s23], $0x2800  }
0x5d: {  	[sflag:s23] =	ssyncset.done $0x0  }
0x5e: {  	s7 =	sadd.s32 $0xFFFFF600, s16;
	[sflag:s23] =	ssyncadd.s32 $0xFFFFD800  }
0x5f: {  	[hbm4b:s7+s24] =	stream.strided.scatter [tilespmem:s22], [sflag:$0x3], $0x2800, s25, s24, $0x38;
	[tilespmem:$0x1F080] =	vst v63  }
0x60: {  	s8 =	simm.s32 $0x80  }
0x61: {  	[tilespmem:s26], [sflag:$0x2] =	stream.indirect.gather [hbm4b:s1+s21], $0x80, s8, s21, $0xb8;
	[tilespmem:$0x1F080] =	vst v63  }
0x62: {  	_ =	swait.ge [sflag:s28], $0x2800  }
0x63: {  	[sflag:s28] =	ssyncset.done $0x0  }
0x64: {  	[sflag:s28] =	ssyncadd.s32 $0xFFFFD800  }
0x65: {  	_ =	swait.ge [sflag:s29], $0x2800  }
0x66: {  	[sflag:s29] =	ssyncset.done $0x0  }
0x67: {  	s9 =	simm.s32 $0x100;
	[sflag:s29] =	ssyncadd.s32 $0xFFFFD800  }
0x68: {  	[tilespmem:s22], [sflag:$0x1] =	stream.indirect.gather [hbm4b:s1+s21], $0x80, s9, s21, $0xb8;
	[tilespmem:$0x1F080] =	vst v63  }
0x69: {  	_ = 	snop  }
0x6a: {  	[hbm4b:s16+s24] =	stream.strided.scatter [tilespmem:s26], [sflag:$0x4], $0x2800, s25, s24, $0x38;
	[tilespmem:$0x1F080] =	vst v63  }
0x6b: {  	_ =	swait.ge [sflag:s30], $0x2800  }
0x6c: {  	s5 =	simm.s32 $0x400;
	s7 =	smov.u32 s16;
	[sflag:s30] =	ssyncset.done $0x0  }
.LBB2_4:
0x6d: {  	p3 =	sne.s32 s5, $0xF400;
	[sflag:s30] =	ssyncadd.s32 $0xFFFFD800;
	s7 =	sadd.s32 $0x1400, s7  }
0x6e: {  	s8 =	smov.u32 s5;
	s5 =	sadd.s32 $0x400, s5  }
0x6f: {  	_ =	swait.ge [sflag:s23], $0x2800  }
0x70: {  	[sflag:s23] =	ssyncset.done $0x0  }
0x71: {  	s9 =	sadd.s32 $0xFFFFF600, s7;
	s8 =	sshra.s32 s8, $0x2;
	[sflag:s23] =	ssyncadd.s32 $0xFFFFD800  }
0x72: {  	[hbm4b:s9+s24] =	stream.strided.scatter [tilespmem:s22], [sflag:$0x3], $0x2800, s25, s24, $0x38;
	[tilespmem:$0x1F080] =	vst v63  }
0x73: {  	s9 =	sadd.s32 $0x80, s8  }
0x74: {  	[tilespmem:s26], [sflag:$0x2] =	stream.indirect.gather [hbm4b:s1+s21], $0x80, s9, s21, $0xb8;
	[tilespmem:$0x1F080] =	vst v63  }
0x75: {  	_ =	swait.ge [sflag:s28], $0x2800  }
0x76: {  	[sflag:s28] =	ssyncset.done $0x0  }
0x77: {  	[sflag:s28] =	ssyncadd.s32 $0xFFFFD800  }
0x78: {  	_ =	swait.ge [sflag:s29], $0x2800  }
0x79: {  	[sflag:s29] =	ssyncset.done $0x0  }
0x7a: {  	s8 =	sadd.s32 $0x100, s8;
	[sflag:s29] =	ssyncadd.s32 $0xFFFFD800  }
0x7b: {  	[tilespmem:s22], [sflag:$0x1] =	stream.indirect.gather [hbm4b:s1+s21], $0x80, s8, s21, $0xb8;
	[tilespmem:$0x1F080] =	vst v63  }
.Ltmp1:
0x7c: {  	_ = 	snop;
	(pc) =	sbr.rel @p3 .LBB2_4-.Ltmp1, $4  }
0x7d: {  	_ = 	snop  }
0x7e: {  	[hbm4b:s7+s24] =	stream.strided.scatter [tilespmem:s26], [sflag:$0x4], $0x2800, s25, s24, $0x38;
	[tilespmem:$0x1F080] =	vst v63  }
0x7f: {  	_ =	swait.ge [sflag:s30], $0x2800  }
0x80: {  	[sflag:s30] =	ssyncset.done $0x0  }
0x81: {  	[sflag:s30] =	ssyncadd.s32 $0xFFFFD800  }
0x82: {  	_ =	swait.ge [sflag:s23], $0x2800  }
0x83: {  	[sflag:s23] =	ssyncset.done $0x0  }
0x84: {  	[sflag:s23] =	ssyncadd.s32 $0xFFFFD800  }
0x85: {  	[hbm4b:s11+s24] =	stream.strided.scatter [tilespmem:s22], [sflag:$0x3], $0x2800, s25, s24, $0x38;
	[tilespmem:$0x1F080] =	vst v63  }
0x86: {  	_ =	swait.ge [sflag:s28], $0x2800  }
0x87: {  	[sflag:s28] =	ssyncset.done $0x0  }
0x88: {  	s5 =	simm.s32 $0x0;
	[sflag:s28] =	ssyncadd.s32 $0xFFFFD800  }
0x89: {  	[spmem:s3] =	stream.indirect.scatter.add.f32 [tilespmem:s19], [sflag:$0x5], $0x80, s5, s21, $0xb8;
	[tilespmem:$0x1F080] =	vst v63  }
0x8a: {  	s9 =	simm.s32 $0x80  }
0x8b: {  	[spmem:s3] =	stream.indirect.scatter.add.f32 [tilespmem:s19], [sflag:$0x5], $0x80, s9, s21, $0xb8;
	[tilespmem:$0x1F080] =	vst v63  }
0x8c: {  	s7 =	simm.s32 $0x100  }
0x8d: {  	[spmem:s3] =	stream.indirect.scatter.add.f32 [tilespmem:s19], [sflag:$0x5], $0x80, s7, s21, $0xb8;
	[tilespmem:$0x1F080] =	vst v63  }
0x8e: {  	s8 =	simm.s32 $0x180  }
0x8f: {  	[spmem:s3] =	stream.indirect.scatter.add.f32 [tilespmem:s19], [sflag:$0x5], $0x80, s8, s21, $0xb8;
	[tilespmem:$0x1F080] =	vst v63  }
0x90: {  	s9 =	simm.s32 $0x200  }
0x91: {  	[spmem:s3] =	stream.indirect.scatter.add.f32 [tilespmem:s19], [sflag:$0x5], $0x80, s9, s21, $0xb8;
	[tilespmem:$0x1F080] =	vst v63  }
0x92: {  	_ =	swait.ge [sflag:s31], $0x2800  }
0x93: {  	[sflag:s31] =	ssyncset.done $0x0  }
0x94: {  	[sflag:s31] =	ssyncadd.s32 $0xFFFFD800  }
0x95: {  	_ =	swait.ge [sflag:s31], $0x2800  }
0x96: {  	[sflag:s31] =	ssyncset.done $0x0  }
0x97: {  	[sflag:s31] =	ssyncadd.s32 $0xFFFFD800  }
0x98: {  	_ =	swait.ge [sflag:s31], $0x2800  }
0x99: {  	[sflag:s31] =	ssyncset.done $0x0  }
0x9a: {  	[sflag:s31] =	ssyncadd.s32 $0xFFFFD800  }
0x9b: {  	_ =	swait.ge [sflag:s31], $0x2800  }
0x9c: {  	[sflag:s31] =	ssyncset.done $0x0  }
0x9d: {  	[sflag:s31] =	ssyncadd.s32 $0xFFFFD800  }
0x9e: {  	_ =	swait.ge [sflag:s31], $0x2800  }
0x9f: {  	s5 =	simm.s32 $0xA00;
	s7 =	simm.s32 $0x1400;
	[sflag:s31] =	ssyncset.done $0x0  }
.LBB2_6:
0xa0: {  	s8 =	sshra.s32 s5, $0x2  }
0xa1: {  	[sflag:s31] =	ssyncadd.s32 $0xFFFFD800;
	s5 =	smov.u32 s7;
	s9 =	sadd.s32 $0xA00, s7  }
0xa2: {  	[spmem:s3] =	stream.indirect.scatter.add.f32 [tilespmem:s19], [sflag:$0x5], $0x80, s8, s21, $0xb8;
	[tilespmem:$0x1F080] =	vst v63  }
0xa3: {  	p3 =	sne.s32 s7, $0xF000;
	s7 =	sadd.s32 $0x80, s8  }
0xa4: {  	[spmem:s3] =	stream.indirect.scatter.add.f32 [tilespmem:s19], [sflag:$0x5], $0x80, s7, s21, $0xb8;
	[tilespmem:$0x1F080] =	vst v63  }
0xa5: {  	s7 =	sadd.s32 $0x100, s8  }
0xa6: {  	[spmem:s3] =	stream.indirect.scatter.add.f32 [tilespmem:s19], [sflag:$0x5], $0x80, s7, s21, $0xb8;
	[tilespmem:$0x1F080] =	vst v63  }
0xa7: {  	s7 =	sadd.s32 $0x180, s8  }
0xa8: {  	[spmem:s3] =	stream.indirect.scatter.add.f32 [tilespmem:s19], [sflag:$0x5], $0x80, s7, s21, $0xb8;
	[tilespmem:$0x1F080] =	vst v63  }
0xa9: {  	s7 =	sadd.s32 $0x200, s8  }
0xaa: {  	[spmem:s3] =	stream.indirect.scatter.add.f32 [tilespmem:s19], [sflag:$0x5], $0x80, s7, s21, $0xb8;
	[tilespmem:$0x1F080] =	vst v63  }
0xab: {  	_ =	swait.ge [sflag:s31], $0x2800  }
0xac: {  	[sflag:s31] =	ssyncset.done $0x0  }
0xad: {  	[sflag:s31] =	ssyncadd.s32 $0xFFFFD800  }
0xae: {  	_ =	swait.ge [sflag:s31], $0x2800  }
0xaf: {  	[sflag:s31] =	ssyncset.done $0x0  }
0xb0: {  	[sflag:s31] =	ssyncadd.s32 $0xFFFFD800  }
0xb1: {  	_ =	swait.ge [sflag:s31], $0x2800  }
0xb2: {  	[sflag:s31] =	ssyncset.done $0x0  }
0xb3: {  	[sflag:s31] =	ssyncadd.s32 $0xFFFFD800  }
.Ltmp2:
0xb4: {  	_ =	swait.ge [sflag:s31], $0x2800;
	(pc) =	sbr.rel @p3 .LBB2_6-.Ltmp2, $4  }
0xb5: {  	[sflag:s31] =	ssyncset.done $0x0  }
0xb6: {  	[sflag:s31] =	ssyncadd.s32 $0xFFFFD800  }
0xb7: {  	_ =	swait.ge [sflag:s31], $0x2800  }
0xb8: {  	s7 =	smov.u32 s9;
	[sflag:s31] =	ssyncset.done $0x0  }
0xb9: {  	s5 =	sshra.s32 s5, $0x2;
	[sflag:s31] =	ssyncadd.s32 $0xFFFFD800  }
0xba: {  	[spmem:s3] =	stream.indirect.scatter.add.f32 [tilespmem:s19], [sflag:$0x5], $0x80, s5, s21, $0xb8;
	[tilespmem:$0x1F080] =	vst v63  }
0xbb: {  	s7 =	sadd.s32 $0x80, s5  }
0xbc: {  	[spmem:s3] =	stream.indirect.scatter.add.f32 [tilespmem:s19], [sflag:$0x5], $0x80, s7, s21, $0xb8;
	[tilespmem:$0x1F080] =	vst v63  }
0xbd: {  	s8 =	sadd.s32 $0x100, s5  }
0xbe: {  	[spmem:s3] =	stream.indirect.scatter.add.f32 [tilespmem:s19], [sflag:$0x5], $0x80, s8, s21, $0xb8;
	[tilespmem:$0x1F080] =	vst v63  }
0xbf: {  	s9 =	sadd.s32 $0x180, s5  }
0xc0: {  	[spmem:s3] =	stream.indirect.scatter.add.f32 [tilespmem:s19], [sflag:$0x5], $0x80, s9, s21, $0xb8;
	[tilespmem:$0x1F080] =	vst v63  }
0xc1: {  	s5 =	sadd.s32 $0x200, s5  }
0xc2: {  	[spmem:s3] =	stream.indirect.scatter.add.f32 [tilespmem:s19], [sflag:$0x5], $0x80, s5, s21, $0xb8;
	[tilespmem:$0x1F080] =	vst v63  }
0xc3: {  	_ =	swait.ge [sflag:s31], $0x2800  }
0xc4: {  	[sflag:s31] =	ssyncset.done $0x0  }
0xc5: {  	[sflag:s31] =	ssyncadd.s32 $0xFFFFD800  }
0xc6: {  	_ =	swait.ge [sflag:s31], $0x2800  }
0xc7: {  	[sflag:s31] =	ssyncset.done $0x0  }
0xc8: {  	[sflag:s31] =	ssyncadd.s32 $0xFFFFD800  }
0xc9: {  	_ =	swait.ge [sflag:s31], $0x2800  }
0xca: {  	[sflag:s31] =	ssyncset.done $0x0  }
0xcb: {  	[sflag:s31] =	ssyncadd.s32 $0xFFFFD800  }
0xcc: {  	_ =	swait.ge [sflag:s31], $0x2800  }
0xcd: {  	[sflag:s31] =	ssyncset.done $0x0  }
0xce: {  	[sflag:s31] =	ssyncadd.s32 $0xFFFFD800  }
0xcf: {  	_ =	swait.ge [sflag:s31], $0x2800  }
0xd0: {  	[sflag:s31] =	ssyncset.done $0x0  }
0xd1: {  	s5 =	sshll.u32 @p0 s0, $0x6;
	[sflag:s31] =	ssyncadd.s32 $0xFFFFD800  }
0xd2: {  	s7 =	sshrl.u32 @p0 s6, $0x3;
	s5 =	sor.u32 @p0 $0x1C06, s5;
	[bflag:$0x0] =	sbarrier.arrive $0xFFFF  }
0xd3: {  	[hbm:s12], [sflag:s5] =	dma.local @p0 [spmem:s7], $0x3E80  }
0xd4: {  	s5 =	simm.s32 @p0 $0x6  }
0xd5: {  	s2 =	sadd.s32 $0x1, s2;
	_ =	swait.ge @p0 [sflag:s5], $0x3E80  }
0xd6: {  	p3 =	sne.s32 s2, s15;
	s7 =	sshll.u32 @p1 s0, $0x6;
	[sflag:s5] =	ssyncset.done @p0 $0x0  }
0xd7: {  	[sflag:s5] =	ssyncadd.s32 @p0 $0xFFFFC180;
	s5 =	sor.u32 @p1 $0x1C06, s7;
	s7 =	sshrl.u32 @p1 s6, $0x3  }
0xd8: {  	[hbm:s13], [sflag:s5] =	dma.local @p1 [spmem:s7], $0x3E80  }
.Ltmp3:
0xd9: {  	_ = 	snop;
	(pc) =	sbr.rel @p3 .LBB2_1-.Ltmp3, $4  }
0xda: {  	s5 =	simm.s32 @p1 $0x6  }
0xdb: {  	_ =	swait.ge @p1 [sflag:s5], $0x3E80  }
0xdc: {  	[sflag:s5] =	ssyncset.done @p1 $0x0  }
0xdd: {  	[sflag:s5] =	ssyncadd.s32 @p1 $0xFFFFC180  }
0xde: {  	_ =	sfence.sel $0x180000  }
0xdf: {  	[bflag:$0x0] =	sbarrier.arrive $0xFFFF  }
0xe0: {  	_ =	strace $0x90000047  }
0xe1: {  	[bflag:$0x2] =	sbarrier.arrive $0xFFFF  }
0xe2: {  	p0 =	sne.s32 s0, $0x0;
	s0 =	rddreg [dreg:$0x3]  }
0xe3: {  	s0 =	sadd.s32 @!p0 $0x100000, s0  }
0xe4: {  	[sflag:s0] =	ssyncadd.tile.s32 @!p0 $0x1;
	_ =	shalt  }
.Lfunc_end2:
_tile_overlayer_lowered:
.L_overlay_start_2:
0xe5: {  	(tag) =	ssettag $0x2  }
0xe6: {  	s0 =	rddreg [dreg:$0x0];
	s2 =	stileid.u32  }
0xe7: {  	s1 =	rddreg [dreg:$0x1];
	p0 =	sne.s32 s2, $0x0  }
0xe8: {  	s3 =	rddreg [dreg:$0x2];
	[bflag:$0x3] =	sbarrier.arrive $0xFFFF;
	s2 =	simm.s32 @!p0 $0x1C06  }
0xe9: {  	[timem:s3], [sflag:s2] =	dma.local @!p0 [hbm:s0], s1  }
0xea: {  	s0 =	simm.s32 @!p0 $0x6  }
0xeb: {  	_ =	swait.ge @!p0 [sflag:s0], s1  }
0xec: {  	s1 =	ssub.s32 @!p0 $0x0, s1;
	[sflag:s0] =	ssyncset.done @!p0 $0x0  }
0xed: {  	[sflag:s0] =	ssyncadd.s32 @!p0 s1  }
0xee: {  	[bflag:$0x3] =	sbarrier.arrive $0xFFFF  }
0xef: {  	_ =	shalt  }

</sc_bundles>
